<compile_context>
chip_gen: v7x
topology: tpu7x:2x2x1
jax: 0.10.2.dev20260603
libtpu: 0.0.44.dev20260713+nightly
codegen_flags: <defaults>
</compile_context>

<pallas_src>
import functools

import jax
import jax.numpy as jnp
from jax import lax
from jax.experimental import pallas as pl
from jax.experimental.pallas import tpu as pltpu
from jax.experimental.pallas import tpu_sc as plsc

N_NODES = 10000
N_EDGES = 320000
B_GRAPHS = 64
K_POOL = 40
D_IN = 128
D_H = 16

NC = 2
NS = 16
NW = NC * NS
CHUNK = 128
NCH = 80
EPW = NCH * CHUNK
E_PAD = NW * EPW
NROW = 10240
RPT = NROW // NS
RBLK = 1024
NRB = NROW // RBLK

@functools.cache
def _mesh():
    return plsc.VectorSubcoreMesh(
        core_axis_name="c", subcore_axis_name="s",
        num_cores=NC, num_subcores=NS)


def _sc_deg_body(dst_hbm, ones_hbm, zeros_hbm, out_hbm, dst_v, ones_v, acc, sem):
    c = lax.axis_index("c")
    s = lax.axis_index("s")
    wid = s * NC + c
    pltpu.sync_copy(zeros_hbm, acc.at[pl.ds(s * RPT, RPT)])
    pltpu.sync_copy(ones_hbm, ones_v)
    pltpu.sync_copy(dst_hbm.at[wid], dst_v)
    plsc.subcore_barrier()

    def step(j, carry):
        pltpu.sync_copy(ones_v, acc.at[dst_v.at[j]], add=True)
        return carry

    lax.fori_loop(0, NCH, step, 0, unroll=False)
    plsc.subcore_barrier()
    pltpu.sync_copy(acc.at[pl.ds(s * RPT, RPT)],
                    out_hbm.at[c, pl.ds(s * RPT, RPT)])


@functools.cache
def _sc_deg():
    return pl.kernel(
        _sc_deg_body,
        out_type=jax.ShapeDtypeStruct((NC, NROW, D_H), jnp.float32),
        mesh=_mesh(),
        scratch_types=[
            pltpu.VMEM((NCH, CHUNK), jnp.int32),
            pltpu.VMEM((CHUNK, D_H), jnp.float32),
            pltpu.VMEM_SHARED((NROW, D_H), jnp.float32),
            pltpu.SemaphoreType.DMA,
        ],
        compiler_params=pltpu.CompilerParams(use_tc_tiling_on_sc=False),
    )


def _sc_msg_body(src_hbm, dst_hbm, hs_hbm, zeros_hbm, out_hbm,
                 src_v, dst_v, rows_v, acc, gsem0, gsem1, gsem2, gsem3, sem):
    c = lax.axis_index("c")
    s = lax.axis_index("s")
    wid = s * NC + c
    pltpu.sync_copy(zeros_hbm, acc.at[pl.ds(s * RPT, RPT)])
    pltpu.sync_copy(src_hbm.at[wid], src_v)
    pltpu.sync_copy(dst_hbm.at[wid], dst_v)
    plsc.subcore_barrier()
    gsems = (gsem0, gsem1, gsem2, gsem3)
    for b in range(4):
        pltpu.async_copy(hs_hbm.at[src_v.at[b]], rows_v.at[b], gsems[b])

    def step(jj, carry):
        j0 = jj * 4
        for b in range(4):
            gs = gsems[b]
            j = j0 + b
            pltpu.make_async_copy(
                hs_hbm.at[src_v.at[j]], rows_v.at[b], gs).wait()
            pltpu.sync_copy(rows_v.at[b], acc.at[dst_v.at[j]], add=True)

            def _prefetch(j=j, b=b, gs=gs):
                pltpu.async_copy(hs_hbm.at[src_v.at[j + 4]], rows_v.at[b], gs)

            pl.when(jj < NCH // 4 - 1)(_prefetch)
        return carry

    lax.fori_loop(0, NCH // 4, step, 0, unroll=False)
    plsc.subcore_barrier()
    pltpu.sync_copy(acc.at[pl.ds(s * RPT, RPT)],
                    out_hbm.at[c, pl.ds(s * RPT, RPT)])


@functools.cache
def _sc_msg():
    return pl.kernel(
        _sc_msg_body,
        out_type=jax.ShapeDtypeStruct((NC, NROW, D_H), jnp.float32),
        mesh=_mesh(),
        scratch_types=[
            pltpu.VMEM((NCH, CHUNK), jnp.int32),
            pltpu.VMEM((NCH, CHUNK), jnp.int32),
            pltpu.VMEM((4, CHUNK, D_H), jnp.float32),
            pltpu.VMEM_SHARED((NROW, D_H), jnp.float32),
        ] + [pltpu.SemaphoreType.DMA] * 5,
        compiler_params=pltpu.CompilerParams(use_tc_tiling_on_sc=False),
    )


def _tc1_body(x_ref, w_ref, degp_ref, dinv_ref, hs_ref):
    deg = degp_ref[0] + degp_ref[1] + 1.0
    dinv = 1.0 / jnp.sqrt(deg)
    h = lax.dot_general(x_ref[...].astype(jnp.bfloat16),
                        w_ref[...].astype(jnp.bfloat16),
                        (((1,), (1,)), ((), ())),
                        preferred_element_type=jnp.float32)
    dinv_ref[...] = dinv
    hs_ref[...] = h * dinv


def _tc1(x_p, W1, degp):
    return pl.pallas_call(
        _tc1_body,
        grid=(NRB,),
        in_specs=[
            pl.BlockSpec((RBLK, D_IN), lambda i: (i, 0)),
            pl.BlockSpec((D_H, D_IN), lambda i: (0, 0)),
            pl.BlockSpec((NC, RBLK, D_H), lambda i: (0, i, 0)),
        ],
        out_specs=[
            pl.BlockSpec((RBLK, D_H), lambda i: (i, 0)),
            pl.BlockSpec((RBLK, D_H), lambda i: (i, 0)),
        ],
        out_shape=[
            jax.ShapeDtypeStruct((NROW, D_H), jnp.float32),
            jax.ShapeDtypeStruct((NROW, D_H), jnp.float32),
        ],
    )(x_p, W1, degp)


def _tc2_body(gp_ref, hs_ref, dinv_ref, w_ref, b_ref, out_ref):
    g = gp_ref[0] + gp_ref[1] + hs_ref[...]
    h1 = jnp.maximum(dinv_ref[...] * g + b_ref[...], 0.0)
    h2 = lax.dot_general(h1.astype(jnp.bfloat16),
                         w_ref[...].astype(jnp.bfloat16),
                         (((1,), (1,)), ((), ())),
                         preferred_element_type=jnp.float32)
    out_ref[...] = h2 * dinv_ref[...]


def _tc2(g1p, hs1, dinv, W2, b1r):
    return pl.pallas_call(
        _tc2_body,
        grid=(NRB,),
        in_specs=[
            pl.BlockSpec((NC, RBLK, D_H), lambda i: (0, i, 0)),
            pl.BlockSpec((RBLK, D_H), lambda i: (i, 0)),
            pl.BlockSpec((RBLK, D_H), lambda i: (i, 0)),
            pl.BlockSpec((D_H, D_H), lambda i: (0, 0)),
            pl.BlockSpec((1, D_H), lambda i: (0, 0)),
        ],
        out_specs=pl.BlockSpec((RBLK, D_H), lambda i: (i, 0)),
        out_shape=jax.ShapeDtypeStruct((NROW, D_H), jnp.float32),
    )(g1p, hs1, dinv, W2, b1r)


def _tc3_body(gp_ref, hs_ref, dinv_ref, b_ref, out_ref):
    g = gp_ref[0] + gp_ref[1] + hs_ref[...]
    out_ref[...] = jnp.maximum(dinv_ref[...] * g + b_ref[...], 0.0)


def _tc3(g2p, hs2, dinv, b2r):
    return pl.pallas_call(
        _tc3_body,
        grid=(NRB,),
        in_specs=[
            pl.BlockSpec((NC, RBLK, D_H), lambda i: (0, i, 0)),
            pl.BlockSpec((RBLK, D_H), lambda i: (i, 0)),
            pl.BlockSpec((RBLK, D_H), lambda i: (i, 0)),
            pl.BlockSpec((1, D_H), lambda i: (0, 0)),
        ],
        out_specs=pl.BlockSpec((RBLK, D_H), lambda i: (i, 0)),
        out_shape=jax.ShapeDtypeStruct((NROW, D_H), jnp.float32),
    )(g2p, hs2, dinv, b2r)


def _pool_body(vals_ref, batch_ref, h2_ref, wfc_ref, bfc_ref, out_ref, t_ref):
    t_ref[...] = lax.dot_general(
        wfc_ref[...].astype(jnp.bfloat16), h2_ref[...].astype(jnp.bfloat16),
        (((1,), (1,)), ((), ())), preferred_element_type=jnp.float32)
    giota = lax.broadcasted_iota(jnp.int32, (B_GRAPHS, NROW), 0)
    nidx = lax.broadcasted_iota(jnp.int32, (B_GRAPHS, NROW), 1)
    mv0 = jnp.where(batch_ref[...] == giota, vals_ref[...], -1.0)
    big = jnp.int32(1 << 30)

    def step(k, carry):
        mv, acc = carry
        m = jnp.max(mv, axis=1, keepdims=True)
        sel = jnp.min(jnp.where(mv == m, nidx, big), axis=1, keepdims=True)
        one = nidx == sel
        tk = t_ref[pl.ds(k, 1), :]
        contrib = jnp.sum(jnp.where(one, tk, 0.0), axis=1, keepdims=True)
        acc = acc + jnp.where(m >= 0.0, contrib, 0.0)
        mv = jnp.where(one, -2.0, mv)
        return mv, acc

    _, acc = lax.fori_loop(
        0, K_POOL, step,
        (mv0, jnp.zeros((B_GRAPHS, 1), jnp.float32)))
    out_ref[...] = acc + bfc_ref[0, 0]


def _pool(vals1, batch1, h2, wfc, bfcr):
    return pl.pallas_call(
        _pool_body,
        in_specs=[
            pl.BlockSpec((1, NROW), lambda: (0, 0)),
            pl.BlockSpec((1, NROW), lambda: (0, 0)),
            pl.BlockSpec((NROW, D_H), lambda: (0, 0)),
            pl.BlockSpec((K_POOL, D_H), lambda: (0, 0)),
            pl.BlockSpec((1, 1), lambda: (0, 0)),
        ],
        out_specs=pl.BlockSpec((B_GRAPHS, 1), lambda: (0, 0)),
        out_shape=jax.ShapeDtypeStruct((B_GRAPHS, 1), jnp.float32),
        scratch_shapes=[pltpu.VMEM((K_POOL, NROW), jnp.float32)],
    )(vals1, batch1, h2, wfc, bfcr)


def kernel(x, edge_index, batch, edge_weight, W1, b1, W2, b2, Wfc, bfc):
    del edge_weight
    n = x.shape[0]
    e = edge_index.shape[1]

    x_p = jnp.pad(x, ((0, NROW - n), (0, 0)))
    src = jnp.pad(edge_index[0], (0, E_PAD - e), constant_values=n)
    dst = jnp.pad(edge_index[1], (0, E_PAD - e), constant_values=n)
    src_r = src.reshape(NW, NCH, CHUNK)
    dst_r = dst.reshape(NW, NCH, CHUNK)
    batch1 = jnp.pad(batch, (0, NROW - n), constant_values=-1).reshape(1, NROW)
    ones_t = jnp.ones((CHUNK, D_H), jnp.float32)
    zeros_t = jnp.zeros((RPT, D_H), jnp.float32)
    b1r = b1.reshape(1, D_H)
    b2r = b2.reshape(1, D_H)
    wfc = Wfc.reshape(K_POOL, D_H)
    bfcr = bfc.reshape(1, 1)

    degp = _sc_deg()(dst_r, ones_t, zeros_t)
    dinv, hs1 = _tc1(x_p, W1, degp)
    g1p = _sc_msg()(src_r, dst_r, hs1, zeros_t)
    hs2 = _tc2(g1p, hs1, dinv, W2, b1r)
    g2p = _sc_msg()(src_r, dst_r, hs2, zeros_t)
    h2 = _tc3(g2p, hs2, dinv, b2r)

    vals1 = h2[:, D_H - 1].reshape(1, NROW)
    return _pool(vals1, batch1, h2, wfc, bfcr)

# --- scband reference (transcript-rebuilt; emitter-appended) ---
"""Pipeline reference for scband-gcnsort-pool-2568390443224 (READ-ONLY COPY).

The authoritative reference and input builder live on the scoring server;
editing this copy changes nothing except your own understanding.
"""

import jax, jax.numpy as jnp
import numpy as np

N_NODES = 10000
N_EDGES = 320000
B_GRAPHS = 64
K_POOL = 40
D_IN = 128
D_H1 = 16
D_H2 = 16
D_OUT = 1


def setup_inputs(seed: int = 0):
    key = jax.random.key(seed)
    ks = jax.random.split(key, 10)
    x = jax.random.normal(ks[0], (N_NODES, D_IN), dtype=jnp.float32)
    edge_index = jax.random.randint(ks[1], (2, N_EDGES), 0, N_NODES, dtype=jnp.int32)
    batch = jnp.sort(jax.random.randint(ks[2], (N_NODES,), 0, B_GRAPHS, dtype=jnp.int32))
    edge_weight = jax.random.uniform(ks[3], (N_EDGES,), dtype=jnp.float32)
    W1 = jax.random.normal(ks[4], (D_H1, D_IN), dtype=jnp.float32) * (1.0 / np.sqrt(D_IN))
    b1 = jnp.zeros((D_H1,), dtype=jnp.float32)
    W2 = jax.random.normal(ks[5], (D_H2, D_H1), dtype=jnp.float32) * (1.0 / np.sqrt(D_H1))
    b2 = jnp.zeros((D_H2,), dtype=jnp.float32)
    Wfc = jax.random.normal(ks[6], (D_OUT, D_H2 * K_POOL), dtype=jnp.float32) * (1.0 / np.sqrt(D_H2 * K_POOL))
    bfc = jnp.zeros((D_OUT,), dtype=jnp.float32)
    return {"x": x, "edge_index": edge_index, "batch": batch, "edge_weight": edge_weight,
            "W1": W1, "b1": b1, "W2": W2, "b2": b2, "Wfc": Wfc, "bfc": bfc}


def _gcn_conv(x, edge_index, W, b, num_nodes):
    # PyG GCNConv: out = D^-1/2 (A + I) D^-1/2 (x W^T) + b
    h = x @ W.T
    loop = jnp.arange(num_nodes, dtype=edge_index.dtype)
    src = jnp.concatenate([edge_index[0], loop])
    dst = jnp.concatenate([edge_index[1], loop])
    deg = jnp.zeros((num_nodes,), dtype=h.dtype).at[dst].add(1.0)
    dinv = jnp.where(deg > 0, 1.0 / jnp.sqrt(deg), 0.0)
    norm = dinv[src] * dinv[dst]
    msg = h[src] * norm[:, None]
    out = jnp.zeros((num_nodes, h.shape[1]), dtype=h.dtype).at[dst].add(msg)
    return out + b


def _global_sort_pool(x, batch, k, num_graphs):
    N, D = x.shape
    fill_value = jax.lax.stop_gradient(jnp.min(x)) - 1.0
    counts = jnp.bincount(batch, length=num_graphs)
    max_n = N
    start = jnp.concatenate([jnp.zeros((1,), counts.dtype), jnp.cumsum(counts)[:-1]])
    pos = jnp.arange(N, dtype=counts.dtype) - start[batch]
    dense = jnp.full((num_graphs, max_n, D), fill_value, dtype=x.dtype)
    dense = dense.at[batch, pos].set(x)
    # sort nodes within each graph by last channel, descending
    perm = jnp.argsort(-dense[:, :, -1], axis=1)
    dense = jnp.take_along_axis(dense, perm[:, :, None], axis=1)
    if max_n >= k:
        dense = dense[:, :k]
    else:
        pad = jnp.full((num_graphs, k - max_n, D), fill_value, dtype=x.dtype)
        dense = jnp.concatenate([dense, pad], axis=1)
    dense = jnp.where(dense == fill_value, 0.0, dense)
    return dense.reshape(num_graphs, k * D)


def reference(x, edge_index, batch, edge_weight, W1, b1, W2, b2, Wfc, bfc):
    n = x.shape[0]
    h = jax.nn.relu(_gcn_conv(x, edge_index, W1, b1, n))
    h = jax.nn.relu(_gcn_conv(h, edge_index, W2, b2, n))
    p = _global_sort_pool(h, batch, K_POOL, B_GRAPHS)
    return p @ Wfc.T + bfc

if __name__ == "__main__":
    import jax
    _d = setup_inputs()
    print(jax.jit(kernel)(*tuple(_d.values())))

</pallas_src>

<mosaic_0001>
#map = affine_map<(d0, d1) -> (0, 0, 0)>
#map1 = affine_map<(d0, d1) -> (0, 0)>
module attributes {stable_mosaic.version = 14 : i64} {
  func.func @_sc_msg_body(%arg0: i32, %arg1: i32, %arg2: memref<32x80x128xi32, #tpu.memory_space<hbm>>, %arg3: memref<32x80x128xi32, #tpu.memory_space<hbm>>, %arg4: memref<10240x16xf32, #tpu.memory_space<hbm>>, %arg5: memref<640x16xf32, #tpu.memory_space<hbm>>, %arg6: memref<2x10240x16xf32, #tpu.memory_space<hbm>>, %arg7: memref<80x128xi32, #tpu.memory_space<vmem>>, %arg8: memref<80x128xi32, #tpu.memory_space<vmem>>, %arg9: memref<4x128x16xf32, #tpu.memory_space<vmem>>, %arg10: memref<10240x16xf32, #tpu.memory_space<vmem_shared>>, %arg11: memref<!tpu.dma_semaphore, #tpu.memory_space<semaphore_mem>>, %arg12: memref<!tpu.dma_semaphore, #tpu.memory_space<semaphore_mem>>, %arg13: memref<!tpu.dma_semaphore, #tpu.memory_space<semaphore_mem>>, %arg14: memref<!tpu.dma_semaphore, #tpu.memory_space<semaphore_mem>>, %arg15: memref<!tpu.dma_semaphore, #tpu.memory_space<semaphore_mem>>) attributes {dimension_semantics = [#tpu.dimension_semantics<core_parallel>, #tpu.dimension_semantics<subcore_parallel>], iteration_bounds = array<i64: 2, 16>, scalar_prefetch = 0 : i64, scratch_operands = 9 : i64, tpu.core_type = #tpu.core_type<sc_vector_subcore>, window_params = [{transform_indices = #map}, {transform_indices = #map}, {transform_indices = #map1}, {transform_indices = #map1}, {transform_indices = #map}]} {
    %mul3A = arith.constant 2 : i32
    %mul3A_0 = arith.muli %arg1, %mul3A : i32
    %add3A = arith.addi %mul3A_0, %arg0 : i32
    %mul3A_1 = arith.constant 640 : i32
    %mul3A_2 = arith.muli %arg1, %mul3A_1 : i32
    "tpu.region"() ({
      %run_scoped3A = tpu.sem_alloc : memref<!tpu.dma_semaphore, #tpu.memory_space<semaphore_mem>>
      %dma_start3A_60 = arith.constant 0 : i32
      %dma_start3A_61 = tpu.memref_slice %arg10[%mul3A_2, %dma_start3A_60] : memref<10240x16xf32, #tpu.memory_space<vmem_shared>> -> memref<640x16xf32, #tpu.memory_space<vmem_shared>>
      tpu.enqueue_dma source(%arg5 : memref<640x16xf32, #tpu.memory_space<hbm>>) target(%dma_start3A_61 : memref<640x16xf32, #tpu.memory_space<vmem_shared>>) target_semaphore(%run_scoped3A : memref<!tpu.dma_semaphore, #tpu.memory_space<semaphore_mem>>)
      %dma_wait3A = arith.constant 0 : i32
      %dma_wait3A_62 = tpu.memref_slice %arg10[%mul3A_2, %dma_wait3A] : memref<10240x16xf32, #tpu.memory_space<vmem_shared>> -> memref<640x16xf32, #tpu.memory_space<vmem_shared>>
      tpu.wait_dma2 semaphore(%run_scoped3A : memref<!tpu.dma_semaphore, #tpu.memory_space<semaphore_mem>>) src(%arg5 : memref<640x16xf32, #tpu.memory_space<hbm>>) dst(%dma_wait3A_62 : memref<640x16xf32, #tpu.memory_space<vmem_shared>>)
      tpu.yield
    }) : () -> ()
    "tpu.region"() ({
      %run_scoped3A = tpu.sem_alloc : memref<!tpu.dma_semaphore, #tpu.memory_space<semaphore_mem>>
      %dma_start3A_60 = arith.constant 0 : i32
      %dma_start3A_61 = arith.constant 0 : i32
      %dma_start3A_62 = tpu.memref_slice %arg2[%add3A, %dma_start3A_60, %dma_start3A_61] : memref<32x80x128xi32, #tpu.memory_space<hbm>> -> memref<1x80x128xi32, #tpu.memory_space<hbm>>
      %dma_start3A_63 = tpu.memref_squeeze %dma_start3A_62 : memref<1x80x128xi32, #tpu.memory_space<hbm>> -> memref<80x128xi32, #tpu.memory_space<hbm>>
      %dma_start3A_64 = arith.constant 0 : i32
      %dma_start3A_65 = arith.constant 0 : i32
      %dma_start3A_66 = tpu.memref_slice %arg2[%add3A, %dma_start3A_64, %dma_start3A_65] : memref<32x80x128xi32, #tpu.memory_space<hbm>> -> memref<1x80x128xi32, #tpu.memory_space<hbm>>
      %dma_start3A_67 = tpu.memref_squeeze %dma_start3A_66 : memref<1x80x128xi32, #tpu.memory_space<hbm>> -> memref<80x128xi32, #tpu.memory_space<hbm>>
      tpu.enqueue_dma source(%dma_start3A_67 : memref<80x128xi32, #tpu.memory_space<hbm>>) target(%arg7 : memref<80x128xi32, #tpu.memory_space<vmem>>) target_semaphore(%run_scoped3A : memref<!tpu.dma_semaphore, #tpu.memory_space<semaphore_mem>>)
      %dma_wait3A = arith.constant 0 : i32
      %dma_wait3A_68 = arith.constant 0 : i32
      %dma_wait3A_69 = tpu.memref_slice %arg2[%add3A, %dma_wait3A, %dma_wait3A_68] : memref<32x80x128xi32, #tpu.memory_space<hbm>> -> memref<1x80x128xi32, #tpu.memory_space<hbm>>
      %dma_wait3A_70 = tpu.memref_squeeze %dma_wait3A_69 : memref<1x80x128xi32, #tpu.memory_space<hbm>> -> memref<80x128xi32, #tpu.memory_space<hbm>>
      %dma_wait3A_71 = arith.constant 0 : i32
      %dma_wait3A_72 = arith.constant 0 : i32
      %dma_wait3A_73 = tpu.memref_slice %arg2[%add3A, %dma_wait3A_71, %dma_wait3A_72] : memref<32x80x128xi32, #tpu.memory_space<hbm>> -> memref<1x80x128xi32, #tpu.memory_space<hbm>>
      %dma_wait3A_74 = tpu.memref_squeeze %dma_wait3A_73 : memref<1x80x128xi32, #tpu.memory_space<hbm>> -> memref<80x128xi32, #tpu.memory_space<hbm>>
      tpu.wait_dma2 semaphore(%run_scoped3A : memref<!tpu.dma_semaphore, #tpu.memory_space<semaphore_mem>>) src(%dma_wait3A_74 : memref<80x128xi32, #tpu.memory_space<hbm>>) dst(%arg7 : memref<80x128xi32, #tpu.memory_space<vmem>>)
      tpu.yield
    }) : () -> ()
    "tpu.region"() ({
      %run_scoped3A = tpu.sem_alloc : memref<!tpu.dma_semaphore, #tpu.memory_space<semaphore_mem>>
      %dma_start3A_60 = arith.constant 0 : i32
      %dma_start3A_61 = arith.constant 0 : i32
      %dma_start3A_62 = tpu.memref_slice %arg3[%add3A, %dma_start3A_60, %dma_start3A_61] : memref<32x80x128xi32, #tpu.memory_space<hbm>> -> memref<1x80x128xi32, #tpu.memory_space<hbm>>
      %dma_start3A_63 = tpu.memref_squeeze %dma_start3A_62 : memref<1x80x128xi32, #tpu.memory_space<hbm>> -> memref<80x128xi32, #tpu.memory_space<hbm>>
      %dma_start3A_64 = arith.constant 0 : i32
      %dma_start3A_65 = arith.constant 0 : i32
      %dma_start3A_66 = tpu.memref_slice %arg3[%add3A, %dma_start3A_64, %dma_start3A_65] : memref<32x80x128xi32, #tpu.memory_space<hbm>> -> memref<1x80x128xi32, #tpu.memory_space<hbm>>
      %dma_start3A_67 = tpu.memref_squeeze %dma_start3A_66 : memref<1x80x128xi32, #tpu.memory_space<hbm>> -> memref<80x128xi32, #tpu.memory_space<hbm>>
      tpu.enqueue_dma source(%dma_start3A_67 : memref<80x128xi32, #tpu.memory_space<hbm>>) target(%arg8 : memref<80x128xi32, #tpu.memory_space<vmem>>) target_semaphore(%run_scoped3A : memref<!tpu.dma_semaphore, #tpu.memory_space<semaphore_mem>>)
      %dma_wait3A = arith.constant 0 : i32
      %dma_wait3A_68 = arith.constant 0 : i32
      %dma_wait3A_69 = tpu.memref_slice %arg3[%add3A, %dma_wait3A, %dma_wait3A_68] : memref<32x80x128xi32, #tpu.memory_space<hbm>> -> memref<1x80x128xi32, #tpu.memory_space<hbm>>
      %dma_wait3A_70 = tpu.memref_squeeze %dma_wait3A_69 : memref<1x80x128xi32, #tpu.memory_space<hbm>> -> memref<80x128xi32, #tpu.memory_space<hbm>>
      %dma_wait3A_71 = arith.constant 0 : i32
      %dma_wait3A_72 = arith.constant 0 : i32
      %dma_wait3A_73 = tpu.memref_slice %arg3[%add3A, %dma_wait3A_71, %dma_wait3A_72] : memref<32x80x128xi32, #tpu.memory_space<hbm>> -> memref<1x80x128xi32, #tpu.memory_space<hbm>>
      %dma_wait3A_74 = tpu.memref_squeeze %dma_wait3A_73 : memref<1x80x128xi32, #tpu.memory_space<hbm>> -> memref<80x128xi32, #tpu.memory_space<hbm>>
      tpu.wait_dma2 semaphore(%run_scoped3A : memref<!tpu.dma_semaphore, #tpu.memory_space<semaphore_mem>>) src(%dma_wait3A_74 : memref<80x128xi32, #tpu.memory_space<hbm>>) dst(%arg8 : memref<80x128xi32, #tpu.memory_space<vmem>>)
      tpu.yield
    }) : () -> ()
    %barrier3A = arith.constant 0 : index
    tpu.barrier barrier_id(%barrier3A)
    %dma_start3A = arith.constant 0 : i32
    %dma_start3A_3 = arith.constant 0 : i32
    %dma_start3A_4 = arith.constant 0 : i32
    %dma_start3A_5 = arith.constant 0 : i32
    %dma_start3A_6 = tpu.memref_slice %arg9[%dma_start3A_3, %dma_start3A_4, %dma_start3A_5] : memref<4x128x16xf32, #tpu.memory_space<vmem>> -> memref<1x128x16xf32, #tpu.memory_space<vmem>>
    %dma_start3A_7 = tpu.memref_squeeze %dma_start3A_6 : memref<1x128x16xf32, #tpu.memory_space<vmem>> -> memref<128x16xf32, #tpu.memory_space<vmem>>
    %dma_start3A_8 = arith.constant 0 : i32
    %dma_start3A_9 = tpu.memref_slice %arg7[%dma_start3A, %dma_start3A_8] : memref<80x128xi32, #tpu.memory_space<vmem>> -> memref<1x128xi32, #tpu.memory_space<vmem>>
    %dma_start3A_10 = tpu.memref_squeeze %dma_start3A_9 : memref<1x128xi32, #tpu.memory_space<vmem>> -> memref<128xi32, #tpu.memory_space<vmem>>
    %dma_start3A_11 = arith.constant 0 : i32
    %dma_start3A_12 = arith.constant 0 : i32
    %dma_start3A_13 = tpu.memref_slice %arg4[%dma_start3A_11, %dma_start3A_12] : memref<10240x16xf32, #tpu.memory_space<hbm>> -> memref<10240x16xf32, #tpu.memory_space<hbm>>
    tpu.enqueue_indirect_dma source(%dma_start3A_13 : memref<10240x16xf32, #tpu.memory_space<hbm>>) target(%dma_start3A_7 : memref<128x16xf32, #tpu.memory_space<vmem>>) offsets(%dma_start3A_10 : memref<128xi32, #tpu.memory_space<vmem>>) semaphore(%arg11 : memref<!tpu.dma_semaphore, #tpu.memory_space<semaphore_mem>>)
    %dma_start3A_14 = arith.constant 1 : i32
    %dma_start3A_15 = arith.constant 1 : i32
    %dma_start3A_16 = arith.constant 0 : i32
    %dma_start3A_17 = arith.constant 0 : i32
    %dma_start3A_18 = tpu.memref_slice %arg9[%dma_start3A_15, %dma_start3A_16, %dma_start3A_17] : memref<4x128x16xf32, #tpu.memory_space<vmem>> -> memref<1x128x16xf32, #tpu.memory_space<vmem>>
    %dma_start3A_19 = tpu.memref_squeeze %dma_start3A_18 : memref<1x128x16xf32, #tpu.memory_space<vmem>> -> memref<128x16xf32, #tpu.memory_space<vmem>>
    %dma_start3A_20 = arith.constant 0 : i32
    %dma_start3A_21 = tpu.memref_slice %arg7[%dma_start3A_14, %dma_start3A_20] : memref<80x128xi32, #tpu.memory_space<vmem>> -> memref<1x128xi32, #tpu.memory_space<vmem>>
    %dma_start3A_22 = tpu.memref_squeeze %dma_start3A_21 : memref<1x128xi32, #tpu.memory_space<vmem>> -> memref<128xi32, #tpu.memory_space<vmem>>
    %dma_start3A_23 = arith.constant 0 : i32
    %dma_start3A_24 = arith.constant 0 : i32
    %dma_start3A_25 = tpu.memref_slice %arg4[%dma_start3A_23, %dma_start3A_24] : memref<10240x16xf32, #tpu.memory_space<hbm>> -> memref<10240x16xf32, #tpu.memory_space<hbm>>
    tpu.enqueue_indirect_dma source(%dma_start3A_25 : memref<10240x16xf32, #tpu.memory_space<hbm>>) target(%dma_start3A_19 : memref<128x16xf32, #tpu.memory_space<vmem>>) offsets(%dma_start3A_22 : memref<128xi32, #tpu.memory_space<vmem>>) semaphore(%arg12 : memref<!tpu.dma_semaphore, #tpu.memory_space<semaphore_mem>>)
    %dma_start3A_26 = arith.constant 2 : i32
    %dma_start3A_27 = arith.constant 2 : i32
    %dma_start3A_28 = arith.constant 0 : i32
    %dma_start3A_29 = arith.constant 0 : i32
    %dma_start3A_30 = tpu.memref_slice %arg9[%dma_start3A_27, %dma_start3A_28, %dma_start3A_29] : memref<4x128x16xf32, #tpu.memory_space<vmem>> -> memref<1x128x16xf32, #tpu.memory_space<vmem>>
    %dma_start3A_31 = tpu.memref_squeeze %dma_start3A_30 : memref<1x128x16xf32, #tpu.memory_space<vmem>> -> memref<128x16xf32, #tpu.memory_space<vmem>>
    %dma_start3A_32 = arith.constant 0 : i32
    %dma_start3A_33 = tpu.memref_slice %arg7[%dma_start3A_26, %dma_start3A_32] : memref<80x128xi32, #tpu.memory_space<vmem>> -> memref<1x128xi32, #tpu.memory_space<vmem>>
    %dma_start3A_34 = tpu.memref_squeeze %dma_start3A_33 : memref<1x128xi32, #tpu.memory_space<vmem>> -> memref<128xi32, #tpu.memory_space<vmem>>
    %dma_start3A_35 = arith.constant 0 : i32
    %dma_start3A_36 = arith.constant 0 : i32
    %dma_start3A_37 = tpu.memref_slice %arg4[%dma_start3A_35, %dma_start3A_36] : memref<10240x16xf32, #tpu.memory_space<hbm>> -> memref<10240x16xf32, #tpu.memory_space<hbm>>
    tpu.enqueue_indirect_dma source(%dma_start3A_37 : memref<10240x16xf32, #tpu.memory_space<hbm>>) target(%dma_start3A_31 : memref<128x16xf32, #tpu.memory_space<vmem>>) offsets(%dma_start3A_34 : memref<128xi32, #tpu.memory_space<vmem>>) semaphore(%arg13 : memref<!tpu.dma_semaphore, #tpu.memory_space<semaphore_mem>>)
    %dma_start3A_38 = arith.constant 3 : i32
    %dma_start3A_39 = arith.constant 3 : i32
    %dma_start3A_40 = arith.constant 0 : i32
    %dma_start3A_41 = arith.constant 0 : i32
    %dma_start3A_42 = tpu.memref_slice %arg9[%dma_start3A_39, %dma_start3A_40, %dma_start3A_41] : memref<4x128x16xf32, #tpu.memory_space<vmem>> -> memref<1x128x16xf32, #tpu.memory_space<vmem>>
    %dma_start3A_43 = tpu.memref_squeeze %dma_start3A_42 : memref<1x128x16xf32, #tpu.memory_space<vmem>> -> memref<128x16xf32, #tpu.memory_space<vmem>>
    %dma_start3A_44 = arith.constant 0 : i32
    %dma_start3A_45 = tpu.memref_slice %arg7[%dma_start3A_38, %dma_start3A_44] : memref<80x128xi32, #tpu.memory_space<vmem>> -> memref<1x128xi32, #tpu.memory_space<vmem>>
    %dma_start3A_46 = tpu.memref_squeeze %dma_start3A_45 : memref<1x128xi32, #tpu.memory_space<vmem>> -> memref<128xi32, #tpu.memory_space<vmem>>
    %dma_start3A_47 = arith.constant 0 : i32
    %dma_start3A_48 = arith.constant 0 : i32
    %dma_start3A_49 = tpu.memref_slice %arg4[%dma_start3A_47, %dma_start3A_48] : memref<10240x16xf32, #tpu.memory_space<hbm>> -> memref<10240x16xf32, #tpu.memory_space<hbm>>
    tpu.enqueue_indirect_dma source(%dma_start3A_49 : memref<10240x16xf32, #tpu.memory_space<hbm>>) target(%dma_start3A_43 : memref<128x16xf32, #tpu.memory_space<vmem>>) offsets(%dma_start3A_46 : memref<128xi32, #tpu.memory_space<vmem>>) semaphore(%arg14 : memref<!tpu.dma_semaphore, #tpu.memory_space<semaphore_mem>>)
    %scan3A = arith.constant 0 : i32
    %scan3A_50 = arith.constant 0 : i32
    %scan3A_51 = arith.constant 20 : i32
    %scan3A_52 = arith.addi %scan3A_50, %scan3A_51 : i32
    %scan3A_53 = arith.constant 1 : i32
    scf.for %scan3A_60 = %scan3A_50 to %scan3A_52 step %scan3A_53  : i32 {
      %mul3A_61 = arith.constant 4 : i32
      %mul3A_62 = arith.muli %scan3A_60, %mul3A_61 : i32
      %add3A_63 = arith.constant 0 : i32
      %add3A_64 = arith.addi %mul3A_62, %add3A_63 : i32
      %dma_wait3A = arith.constant 0 : i32
      %dma_wait3A_65 = arith.constant 0 : i32
      %dma_wait3A_66 = arith.constant 0 : i32
      %dma_wait3A_67 = tpu.memref_slice %arg9[%dma_wait3A, %dma_wait3A_65, %dma_wait3A_66] : memref<4x128x16xf32, #tpu.memory_space<vmem>> -> memref<1x128x16xf32, #tpu.memory_space<vmem>>
      %dma_wait3A_68 = tpu.memref_squeeze %dma_wait3A_67 : memref<1x128x16xf32, #tpu.memory_space<vmem>> -> memref<128x16xf32, #tpu.memory_space<vmem>>
      %dma_wait3A_69 = arith.constant 0 : i32
      %dma_wait3A_70 = tpu.memref_slice %arg7[%add3A_64, %dma_wait3A_69] : memref<80x128xi32, #tpu.memory_space<vmem>> -> memref<1x128xi32, #tpu.memory_space<vmem>>
      %dma_wait3A_71 = tpu.memref_squeeze %dma_wait3A_70 : memref<1x128xi32, #tpu.memory_space<vmem>> -> memref<128xi32, #tpu.memory_space<vmem>>
      %dma_wait3A_72 = arith.constant 0 : i32
      %dma_wait3A_73 = arith.constant 0 : i32
      %dma_wait3A_74 = tpu.memref_slice %arg4[%dma_wait3A_72, %dma_wait3A_73] : memref<10240x16xf32, #tpu.memory_space<hbm>> -> memref<10240x16xf32, #tpu.memory_space<hbm>>
      tpu.wait_indirect_dma semaphore(%arg11 : memref<!tpu.dma_semaphore, #tpu.memory_space<semaphore_mem>>) src(%dma_wait3A_74 : memref<10240x16xf32, #tpu.memory_space<hbm>>) dst(%dma_wait3A_68 : memref<128x16xf32, #tpu.memory_space<vmem>>)
      %run_scoped3A = arith.constant 0 : i32
      "tpu.region"() ({
        %run_scoped3A_134 = tpu.sem_alloc : memref<!tpu.dma_semaphore, #tpu.memory_space<semaphore_mem>>
        %dma_start3A_135 = arith.constant 0 : i32
        %dma_start3A_136 = arith.constant 0 : i32
        %dma_start3A_137 = tpu.memref_slice %arg9[%run_scoped3A, %dma_start3A_135, %dma_start3A_136] : memref<4x128x16xf32, #tpu.memory_space<vmem>> -> memref<1x128x16xf32, #tpu.memory_space<vmem>>
        %dma_start3A_138 = tpu.memref_squeeze %dma_start3A_137 : memref<1x128x16xf32, #tpu.memory_space<vmem>> -> memref<128x16xf32, #tpu.memory_space<vmem>>
        %dma_start3A_139 = arith.constant 0 : i32
        %dma_start3A_140 = tpu.memref_slice %arg8[%add3A_64, %dma_start3A_139] : memref<80x128xi32, #tpu.memory_space<vmem>> -> memref<1x128xi32, #tpu.memory_space<vmem>>
        %dma_start3A_141 = tpu.memref_squeeze %dma_start3A_140 : memref<1x128xi32, #tpu.memory_space<vmem>> -> memref<128xi32, #tpu.memory_space<vmem>>
        %dma_start3A_142 = arith.constant 0 : i32
        %dma_start3A_143 = arith.constant 0 : i32
        %dma_start3A_144 = tpu.memref_slice %arg10[%dma_start3A_142, %dma_start3A_143] : memref<10240x16xf32, #tpu.memory_space<vmem_shared>> -> memref<10240x16xf32, #tpu.memory_space<vmem_shared>>
        tpu.enqueue_indirect_dma source(%dma_start3A_138 : memref<128x16xf32, #tpu.memory_space<vmem>>) target(%dma_start3A_144 : memref<10240x16xf32, #tpu.memory_space<vmem_shared>>) offsets(%dma_start3A_141 : memref<128xi32, #tpu.memory_space<vmem>>) semaphore(%run_scoped3A_134 : memref<!tpu.dma_semaphore, #tpu.memory_space<semaphore_mem>>) {add = true}
        %dma_wait3A_145 = arith.constant 0 : i32
        %dma_wait3A_146 = arith.constant 0 : i32
        %dma_wait3A_147 = tpu.memref_slice %arg9[%run_scoped3A, %dma_wait3A_145, %dma_wait3A_146] : memref<4x128x16xf32, #tpu.memory_space<vmem>> -> memref<1x128x16xf32, #tpu.memory_space<vmem>>
        %dma_wait3A_148 = tpu.memref_squeeze %dma_wait3A_147 : memref<1x128x16xf32, #tpu.memory_space<vmem>> -> memref<128x16xf32, #tpu.memory_space<vmem>>
        %dma_wait3A_149 = arith.constant 0 : i32
        %dma_wait3A_150 = tpu.memref_slice %arg8[%add3A_64, %dma_wait3A_149] : memref<80x128xi32, #tpu.memory_space<vmem>> -> memref<1x128xi32, #tpu.memory_space<vmem>>
        %dma_wait3A_151 = tpu.memref_squeeze %dma_wait3A_150 : memref<1x128xi32, #tpu.memory_space<vmem>> -> memref<128xi32, #tpu.memory_space<vmem>>
        %dma_wait3A_152 = arith.constant 0 : i32
        %dma_wait3A_153 = arith.constant 0 : i32
        %dma_wait3A_154 = tpu.memref_slice %arg10[%dma_wait3A_152, %dma_wait3A_153] : memref<10240x16xf32, #tpu.memory_space<vmem_shared>> -> memref<10240x16xf32, #tpu.memory_space<vmem_shared>>
        tpu.wait_indirect_dma semaphore(%run_scoped3A_134 : memref<!tpu.dma_semaphore, #tpu.memory_space<semaphore_mem>>) src(%dma_wait3A_148 : memref<128x16xf32, #tpu.memory_space<vmem>>) dst(%dma_wait3A_154 : memref<10240x16xf32, #tpu.memory_space<vmem_shared>>)
        tpu.yield
      }) : () -> ()
      %lt3A = arith.constant 19 : i32
      %lt3A_75 = arith.cmpi slt, %scan3A_60, %lt3A : i32
      %convert_element_type3A = arith.extui %lt3A_75 : i1 to i32
      %cond3A = arith.constant 0 : i32
      %cond3A_76 = arith.cmpi ne, %convert_element_type3A, %cond3A : i32
      scf.if %cond3A_76 {
        %add3A_134 = arith.constant 4 : i32
        %add3A_135 = arith.addi %add3A_64, %add3A_134 : i32
        %dma_start3A_136 = arith.constant 0 : i32
        %dma_start3A_137 = arith.constant 0 : i32
        %dma_start3A_138 = arith.constant 0 : i32
        %dma_start3A_139 = tpu.memref_slice %arg9[%dma_start3A_136, %dma_start3A_137, %dma_start3A_138] : memref<4x128x16xf32, #tpu.memory_space<vmem>> -> memref<1x128x16xf32, #tpu.memory_space<vmem>>
        %dma_start3A_140 = tpu.memref_squeeze %dma_start3A_139 : memref<1x128x16xf32, #tpu.memory_space<vmem>> -> memref<128x16xf32, #tpu.memory_space<vmem>>
        %dma_start3A_141 = arith.constant 0 : i32
        %dma_start3A_142 = tpu.memref_slice %arg7[%add3A_135, %dma_start3A_141] : memref<80x128xi32, #tpu.memory_space<vmem>> -> memref<1x128xi32, #tpu.memory_space<vmem>>
        %dma_start3A_143 = tpu.memref_squeeze %dma_start3A_142 : memref<1x128xi32, #tpu.memory_space<vmem>> -> memref<128xi32, #tpu.memory_space<vmem>>
        %dma_start3A_144 = arith.constant 0 : i32
        %dma_start3A_145 = arith.constant 0 : i32
        %dma_start3A_146 = tpu.memref_slice %arg4[%dma_start3A_144, %dma_start3A_145] : memref<10240x16xf32, #tpu.memory_space<hbm>> -> memref<10240x16xf32, #tpu.memory_space<hbm>>
        tpu.enqueue_indirect_dma source(%dma_start3A_146 : memref<10240x16xf32, #tpu.memory_space<hbm>>) target(%dma_start3A_140 : memref<128x16xf32, #tpu.memory_space<vmem>>) offsets(%dma_start3A_143 : memref<128xi32, #tpu.memory_space<vmem>>) semaphore(%arg11 : memref<!tpu.dma_semaphore, #tpu.memory_space<semaphore_mem>>)
      } else {
      }
      %add3A_77 = arith.constant 1 : i32
      %add3A_78 = arith.addi %mul3A_62, %add3A_77 : i32
      %dma_wait3A_79 = arith.constant 1 : i32
      %dma_wait3A_80 = arith.constant 0 : i32
      %dma_wait3A_81 = arith.constant 0 : i32
      %dma_wait3A_82 = tpu.memref_slice %arg9[%dma_wait3A_79, %dma_wait3A_80, %dma_wait3A_81] : memref<4x128x16xf32, #tpu.memory_space<vmem>> -> memref<1x128x16xf32, #tpu.memory_space<vmem>>
      %dma_wait3A_83 = tpu.memref_squeeze %dma_wait3A_82 : memref<1x128x16xf32, #tpu.memory_space<vmem>> -> memref<128x16xf32, #tpu.memory_space<vmem>>
      %dma_wait3A_84 = arith.constant 0 : i32
      %dma_wait3A_85 = tpu.memref_slice %arg7[%add3A_78, %dma_wait3A_84] : memref<80x128xi32, #tpu.memory_space<vmem>> -> memref<1x128xi32, #tpu.memory_space<vmem>>
      %dma_wait3A_86 = tpu.memref_squeeze %dma_wait3A_85 : memref<1x128xi32, #tpu.memory_space<vmem>> -> memref<128xi32, #tpu.memory_space<vmem>>
      %dma_wait3A_87 = arith.constant 0 : i32
      %dma_wait3A_88 = arith.constant 0 : i32
      %dma_wait3A_89 = tpu.memref_slice %arg4[%dma_wait3A_87, %dma_wait3A_88] : memref<10240x16xf32, #tpu.memory_space<hbm>> -> memref<10240x16xf32, #tpu.memory_space<hbm>>
      tpu.wait_indirect_dma semaphore(%arg12 : memref<!tpu.dma_semaphore, #tpu.memory_space<semaphore_mem>>) src(%dma_wait3A_89 : memref<10240x16xf32, #tpu.memory_space<hbm>>) dst(%dma_wait3A_83 : memref<128x16xf32, #tpu.memory_space<vmem>>)
      %run_scoped3A_90 = arith.constant 1 : i32
      "tpu.region"() ({
        %run_scoped3A_134 = tpu.sem_alloc : memref<!tpu.dma_semaphore, #tpu.memory_space<semaphore_mem>>
        %dma_start3A_135 = arith.constant 0 : i32
        %dma_start3A_136 = arith.constant 0 : i32
        %dma_start3A_137 = tpu.memref_slice %arg9[%run_scoped3A_90, %dma_start3A_135, %dma_start3A_136] : memref<4x128x16xf32, #tpu.memory_space<vmem>> -> memref<1x128x16xf32, #tpu.memory_space<vmem>>
        %dma_start3A_138 = tpu.memref_squeeze %dma_start3A_137 : memref<1x128x16xf32, #tpu.memory_space<vmem>> -> memref<128x16xf32, #tpu.memory_space<vmem>>
        %dma_start3A_139 = arith.constant 0 : i32
        %dma_start3A_140 = tpu.memref_slice %arg8[%add3A_78, %dma_start3A_139] : memref<80x128xi32, #tpu.memory_space<vmem>> -> memref<1x128xi32, #tpu.memory_space<vmem>>
        %dma_start3A_141 = tpu.memref_squeeze %dma_start3A_140 : memref<1x128xi32, #tpu.memory_space<vmem>> -> memref<128xi32, #tpu.memory_space<vmem>>
        %dma_start3A_142 = arith.constant 0 : i32
        %dma_start3A_143 = arith.constant 0 : i32
        %dma_start3A_144 = tpu.memref_slice %arg10[%dma_start3A_142, %dma_start3A_143] : memref<10240x16xf32, #tpu.memory_space<vmem_shared>> -> memref<10240x16xf32, #tpu.memory_space<vmem_shared>>
        tpu.enqueue_indirect_dma source(%dma_start3A_138 : memref<128x16xf32, #tpu.memory_space<vmem>>) target(%dma_start3A_144 : memref<10240x16xf32, #tpu.memory_space<vmem_shared>>) offsets(%dma_start3A_141 : memref<128xi32, #tpu.memory_space<vmem>>) semaphore(%run_scoped3A_134 : memref<!tpu.dma_semaphore, #tpu.memory_space<semaphore_mem>>) {add = true}
        %dma_wait3A_145 = arith.constant 0 : i32
        %dma_wait3A_146 = arith.constant 0 : i32
        %dma_wait3A_147 = tpu.memref_slice %arg9[%run_scoped3A_90, %dma_wait3A_145, %dma_wait3A_146] : memref<4x128x16xf32, #tpu.memory_space<vmem>> -> memref<1x128x16xf32, #tpu.memory_space<vmem>>
        %dma_wait3A_148 = tpu.memref_squeeze %dma_wait3A_147 : memref<1x128x16xf32, #tpu.memory_space<vmem>> -> memref<128x16xf32, #tpu.memory_space<vmem>>
        %dma_wait3A_149 = arith.constant 0 : i32
        %dma_wait3A_150 = tpu.memref_slice %arg8[%add3A_78, %dma_wait3A_149] : memref<80x128xi32, #tpu.memory_space<vmem>> -> memref<1x128xi32, #tpu.memory_space<vmem>>
        %dma_wait3A_151 = tpu.memref_squeeze %dma_wait3A_150 : memref<1x128xi32, #tpu.memory_space<vmem>> -> memref<128xi32, #tpu.memory_space<vmem>>
        %dma_wait3A_152 = arith.constant 0 : i32
        %dma_wait3A_153 = arith.constant 0 : i32
        %dma_wait3A_154 = tpu.memref_slice %arg10[%dma_wait3A_152, %dma_wait3A_153] : memref<10240x16xf32, #tpu.memory_space<vmem_shared>> -> memref<10240x16xf32, #tpu.memory_space<vmem_shared>>
        tpu.wait_indirect_dma semaphore(%run_scoped3A_134 : memref<!tpu.dma_semaphore, #tpu.memory_space<semaphore_mem>>) src(%dma_wait3A_148 : memref<128x16xf32, #tpu.memory_space<vmem>>) dst(%dma_wait3A_154 : memref<10240x16xf32, #tpu.memory_space<vmem_shared>>)
        tpu.yield
      }) : () -> ()
      %lt3A_91 = arith.constant 19 : i32
      %lt3A_92 = arith.cmpi slt, %scan3A_60, %lt3A_91 : i32
      %convert_element_type3A_93 = arith.extui %lt3A_92 : i1 to i32
      %cond3A_94 = arith.constant 0 : i32
      %cond3A_95 = arith.cmpi ne, %convert_element_type3A_93, %cond3A_94 : i32
      scf.if %cond3A_95 {
        %add3A_134 = arith.constant 4 : i32
        %add3A_135 = arith.addi %add3A_78, %add3A_134 : i32
        %dma_start3A_136 = arith.constant 1 : i32
        %dma_start3A_137 = arith.constant 0 : i32
        %dma_start3A_138 = arith.constant 0 : i32
        %dma_start3A_139 = tpu.memref_slice %arg9[%dma_start3A_136, %dma_start3A_137, %dma_start3A_138] : memref<4x128x16xf32, #tpu.memory_space<vmem>> -> memref<1x128x16xf32, #tpu.memory_space<vmem>>
        %dma_start3A_140 = tpu.memref_squeeze %dma_start3A_139 : memref<1x128x16xf32, #tpu.memory_space<vmem>> -> memref<128x16xf32, #tpu.memory_space<vmem>>
        %dma_start3A_141 = arith.constant 0 : i32
        %dma_start3A_142 = tpu.memref_slice %arg7[%add3A_135, %dma_start3A_141] : memref<80x128xi32, #tpu.memory_space<vmem>> -> memref<1x128xi32, #tpu.memory_space<vmem>>
        %dma_start3A_143 = tpu.memref_squeeze %dma_start3A_142 : memref<1x128xi32, #tpu.memory_space<vmem>> -> memref<128xi32, #tpu.memory_space<vmem>>
        %dma_start3A_144 = arith.constant 0 : i32
        %dma_start3A_145 = arith.constant 0 : i32
        %dma_start3A_146 = tpu.memref_slice %arg4[%dma_start3A_144, %dma_start3A_145] : memref<10240x16xf32, #tpu.memory_space<hbm>> -> memref<10240x16xf32, #tpu.memory_space<hbm>>
        tpu.enqueue_indirect_dma source(%dma_start3A_146 : memref<10240x16xf32, #tpu.memory_space<hbm>>) target(%dma_start3A_140 : memref<128x16xf32, #tpu.memory_space<vmem>>) offsets(%dma_start3A_143 : memref<128xi32, #tpu.memory_space<vmem>>) semaphore(%arg12 : memref<!tpu.dma_semaphore, #tpu.memory_space<semaphore_mem>>)
      } else {
      }
      %add3A_96 = arith.constant 2 : i32
      %add3A_97 = arith.addi %mul3A_62, %add3A_96 : i32
      %dma_wait3A_98 = arith.constant 2 : i32
      %dma_wait3A_99 = arith.constant 0 : i32
      %dma_wait3A_100 = arith.constant 0 : i32
      %dma_wait3A_101 = tpu.memref_slice %arg9[%dma_wait3A_98, %dma_wait3A_99, %dma_wait3A_100] : memref<4x128x16xf32, #tpu.memory_space<vmem>> -> memref<1x128x16xf32, #tpu.memory_space<vmem>>
      %dma_wait3A_102 = tpu.memref_squeeze %dma_wait3A_101 : memref<1x128x16xf32, #tpu.memory_space<vmem>> -> memref<128x16xf32, #tpu.memory_space<vmem>>
      %dma_wait3A_103 = arith.constant 0 : i32
      %dma_wait3A_104 = tpu.memref_slice %arg7[%add3A_97, %dma_wait3A_103] : memref<80x128xi32, #tpu.memory_space<vmem>> -> memref<1x128xi32, #tpu.memory_space<vmem>>
      %dma_wait3A_105 = tpu.memref_squeeze %dma_wait3A_104 : memref<1x128xi32, #tpu.memory_space<vmem>> -> memref<128xi32, #tpu.memory_space<vmem>>
      %dma_wait3A_106 = arith.constant 0 : i32
      %dma_wait3A_107 = arith.constant 0 : i32
      %dma_wait3A_108 = tpu.memref_slice %arg4[%dma_wait3A_106, %dma_wait3A_107] : memref<10240x16xf32, #tpu.memory_space<hbm>> -> memref<10240x16xf32, #tpu.memory_space<hbm>>
      tpu.wait_indirect_dma semaphore(%arg13 : memref<!tpu.dma_semaphore, #tpu.memory_space<semaphore_mem>>) src(%dma_wait3A_108 : memref<10240x16xf32, #tpu.memory_space<hbm>>) dst(%dma_wait3A_102 : memref<128x16xf32, #tpu.memory_space<vmem>>)
      %run_scoped3A_109 = arith.constant 2 : i32
      "tpu.region"() ({
        %run_scoped3A_134 = tpu.sem_alloc : memref<!tpu.dma_semaphore, #tpu.memory_space<semaphore_mem>>
        %dma_start3A_135 = arith.constant 0 : i32
        %dma_start3A_136 = arith.constant 0 : i32
        %dma_start3A_137 = tpu.memref_slice %arg9[%run_scoped3A_109, %dma_start3A_135, %dma_start3A_136] : memref<4x128x16xf32, #tpu.memory_space<vmem>> -> memref<1x128x16xf32, #tpu.memory_space<vmem>>
        %dma_start3A_138 = tpu.memref_squeeze %dma_start3A_137 : memref<1x128x16xf32, #tpu.memory_space<vmem>> -> memref<128x16xf32, #tpu.memory_space<vmem>>
        %dma_start3A_139 = arith.constant 0 : i32
        %dma_start3A_140 = tpu.memref_slice %arg8[%add3A_97, %dma_start3A_139] : memref<80x128xi32, #tpu.memory_space<vmem>> -> memref<1x128xi32, #tpu.memory_space<vmem>>
        %dma_start3A_141 = tpu.memref_squeeze %dma_start3A_140 : memref<1x128xi32, #tpu.memory_space<vmem>> -> memref<128xi32, #tpu.memory_space<vmem>>
        %dma_start3A_142 = arith.constant 0 : i32
        %dma_start3A_143 = arith.constant 0 : i32
        %dma_start3A_144 = tpu.memref_slice %arg10[%dma_start3A_142, %dma_start3A_143] : memref<10240x16xf32, #tpu.memory_space<vmem_shared>> -> memref<10240x16xf32, #tpu.memory_space<vmem_shared>>
        tpu.enqueue_indirect_dma source(%dma_start3A_138 : memref<128x16xf32, #tpu.memory_space<vmem>>) target(%dma_start3A_144 : memref<10240x16xf32, #tpu.memory_space<vmem_shared>>) offsets(%dma_start3A_141 : memref<128xi32, #tpu.memory_space<vmem>>) semaphore(%run_scoped3A_134 : memref<!tpu.dma_semaphore, #tpu.memory_space<semaphore_mem>>) {add = true}
        %dma_wait3A_145 = arith.constant 0 : i32
        %dma_wait3A_146 = arith.constant 0 : i32
        %dma_wait3A_147 = tpu.memref_slice %arg9[%run_scoped3A_109, %dma_wait3A_145, %dma_wait3A_146] : memref<4x128x16xf32, #tpu.memory_space<vmem>> -> memref<1x128x16xf32, #tpu.memory_space<vmem>>
        %dma_wait3A_148 = tpu.memref_squeeze %dma_wait3A_147 : memref<1x128x16xf32, #tpu.memory_space<vmem>> -> memref<128x16xf32, #tpu.memory_space<vmem>>
        %dma_wait3A_149 = arith.constant 0 : i32
        %dma_wait3A_150 = tpu.memref_slice %arg8[%add3A_97, %dma_wait3A_149] : memref<80x128xi32, #tpu.memory_space<vmem>> -> memref<1x128xi32, #tpu.memory_space<vmem>>
        %dma_wait3A_151 = tpu.memref_squeeze %dma_wait3A_150 : memref<1x128xi32, #tpu.memory_space<vmem>> -> memref<128xi32, #tpu.memory_space<vmem>>
        %dma_wait3A_152 = arith.constant 0 : i32
        %dma_wait3A_153 = arith.constant 0 : i32
        %dma_wait3A_154 = tpu.memref_slice %arg10[%dma_wait3A_152, %dma_wait3A_153] : memref<10240x16xf32, #tpu.memory_space<vmem_shared>> -> memref<10240x16xf32, #tpu.memory_space<vmem_shared>>
        tpu.wait_indirect_dma semaphore(%run_scoped3A_134 : memref<!tpu.dma_semaphore, #tpu.memory_space<semaphore_mem>>) src(%dma_wait3A_148 : memref<128x16xf32, #tpu.memory_space<vmem>>) dst(%dma_wait3A_154 : memref<10240x16xf32, #tpu.memory_space<vmem_shared>>)
        tpu.yield
      }) : () -> ()
      %lt3A_110 = arith.constant 19 : i32
      %lt3A_111 = arith.cmpi slt, %scan3A_60, %lt3A_110 : i32
      %convert_element_type3A_112 = arith.extui %lt3A_111 : i1 to i32
      %cond3A_113 = arith.constant 0 : i32
      %cond3A_114 = arith.cmpi ne, %convert_element_type3A_112, %cond3A_113 : i32
      scf.if %cond3A_114 {
        %add3A_134 = arith.constant 4 : i32
        %add3A_135 = arith.addi %add3A_97, %add3A_134 : i32
        %dma_start3A_136 = arith.constant 2 : i32
        %dma_start3A_137 = arith.constant 0 : i32
        %dma_start3A_138 = arith.constant 0 : i32
        %dma_start3A_139 = tpu.memref_slice %arg9[%dma_start3A_136, %dma_start3A_137, %dma_start3A_138] : memref<4x128x16xf32, #tpu.memory_space<vmem>> -> memref<1x128x16xf32, #tpu.memory_space<vmem>>
        %dma_start3A_140 = tpu.memref_squeeze %dma_start3A_139 : memref<1x128x16xf32, #tpu.memory_space<vmem>> -> memref<128x16xf32, #tpu.memory_space<vmem>>
        %dma_start3A_141 = arith.constant 0 : i32
        %dma_start3A_142 = tpu.memref_slice %arg7[%add3A_135, %dma_start3A_141] : memref<80x128xi32, #tpu.memory_space<vmem>> -> memref<1x128xi32, #tpu.memory_space<vmem>>
        %dma_start3A_143 = tpu.memref_squeeze %dma_start3A_142 : memref<1x128xi32, #tpu.memory_space<vmem>> -> memref<128xi32, #tpu.memory_space<vmem>>
        %dma_start3A_144 = arith.constant 0 : i32
        %dma_start3A_145 = arith.constant 0 : i32
        %dma_start3A_146 = tpu.memref_slice %arg4[%dma_start3A_144, %dma_start3A_145] : memref<10240x16xf32, #tpu.memory_space<hbm>> -> memref<10240x16xf32, #tpu.memory_space<hbm>>
        tpu.enqueue_indirect_dma source(%dma_start3A_146 : memref<10240x16xf32, #tpu.memory_space<hbm>>) target(%dma_start3A_140 : memref<128x16xf32, #tpu.memory_space<vmem>>) offsets(%dma_start3A_143 : memref<128xi32, #tpu.memory_space<vmem>>) semaphore(%arg13 : memref<!tpu.dma_semaphore, #tpu.memory_space<semaphore_mem>>)
      } else {
      }
      %add3A_115 = arith.constant 3 : i32
      %add3A_116 = arith.addi %mul3A_62, %add3A_115 : i32
      %dma_wait3A_117 = arith.constant 3 : i32
      %dma_wait3A_118 = arith.constant 0 : i32
      %dma_wait3A_119 = arith.constant 0 : i32
      %dma_wait3A_120 = tpu.memref_slice %arg9[%dma_wait3A_117, %dma_wait3A_118, %dma_wait3A_119] : memref<4x128x16xf32, #tpu.memory_space<vmem>> -> memref<1x128x16xf32, #tpu.memory_space<vmem>>
      %dma_wait3A_121 = tpu.memref_squeeze %dma_wait3A_120 : memref<1x128x16xf32, #tpu.memory_space<vmem>> -> memref<128x16xf32, #tpu.memory_space<vmem>>
      %dma_wait3A_122 = arith.constant 0 : i32
      %dma_wait3A_123 = tpu.memref_slice %arg7[%add3A_116, %dma_wait3A_122] : memref<80x128xi32, #tpu.memory_space<vmem>> -> memref<1x128xi32, #tpu.memory_space<vmem>>
      %dma_wait3A_124 = tpu.memref_squeeze %dma_wait3A_123 : memref<1x128xi32, #tpu.memory_space<vmem>> -> memref<128xi32, #tpu.memory_space<vmem>>
      %dma_wait3A_125 = arith.constant 0 : i32
      %dma_wait3A_126 = arith.constant 0 : i32
      %dma_wait3A_127 = tpu.memref_slice %arg4[%dma_wait3A_125, %dma_wait3A_126] : memref<10240x16xf32, #tpu.memory_space<hbm>> -> memref<10240x16xf32, #tpu.memory_space<hbm>>
      tpu.wait_indirect_dma semaphore(%arg14 : memref<!tpu.dma_semaphore, #tpu.memory_space<semaphore_mem>>) src(%dma_wait3A_127 : memref<10240x16xf32, #tpu.memory_space<hbm>>) dst(%dma_wait3A_121 : memref<128x16xf32, #tpu.memory_space<vmem>>)
      %run_scoped3A_128 = arith.constant 3 : i32
      "tpu.region"() ({
        %run_scoped3A_134 = tpu.sem_alloc : memref<!tpu.dma_semaphore, #tpu.memory_space<semaphore_mem>>
        %dma_start3A_135 = arith.constant 0 : i32
        %dma_start3A_136 = arith.constant 0 : i32
        %dma_start3A_137 = tpu.memref_slice %arg9[%run_scoped3A_128, %dma_start3A_135, %dma_start3A_136] : memref<4x128x16xf32, #tpu.memory_space<vmem>> -> memref<1x128x16xf32, #tpu.memory_space<vmem>>
        %dma_start3A_138 = tpu.memref_squeeze %dma_start3A_137 : memref<1x128x16xf32, #tpu.memory_space<vmem>> -> memref<128x16xf32, #tpu.memory_space<vmem>>
        %dma_start3A_139 = arith.constant 0 : i32
        %dma_start3A_140 = tpu.memref_slice %arg8[%add3A_116, %dma_start3A_139] : memref<80x128xi32, #tpu.memory_space<vmem>> -> memref<1x128xi32, #tpu.memory_space<vmem>>
        %dma_start3A_141 = tpu.memref_squeeze %dma_start3A_140 : memref<1x128xi32, #tpu.memory_space<vmem>> -> memref<128xi32, #tpu.memory_space<vmem>>
        %dma_start3A_142 = arith.constant 0 : i32
        %dma_start3A_143 = arith.constant 0 : i32
        %dma_start3A_144 = tpu.memref_slice %arg10[%dma_start3A_142, %dma_start3A_143] : memref<10240x16xf32, #tpu.memory_space<vmem_shared>> -> memref<10240x16xf32, #tpu.memory_space<vmem_shared>>
        tpu.enqueue_indirect_dma source(%dma_start3A_138 : memref<128x16xf32, #tpu.memory_space<vmem>>) target(%dma_start3A_144 : memref<10240x16xf32, #tpu.memory_space<vmem_shared>>) offsets(%dma_start3A_141 : memref<128xi32, #tpu.memory_space<vmem>>) semaphore(%run_scoped3A_134 : memref<!tpu.dma_semaphore, #tpu.memory_space<semaphore_mem>>) {add = true}
        %dma_wait3A_145 = arith.constant 0 : i32
        %dma_wait3A_146 = arith.constant 0 : i32
        %dma_wait3A_147 = tpu.memref_slice %arg9[%run_scoped3A_128, %dma_wait3A_145, %dma_wait3A_146] : memref<4x128x16xf32, #tpu.memory_space<vmem>> -> memref<1x128x16xf32, #tpu.memory_space<vmem>>
        %dma_wait3A_148 = tpu.memref_squeeze %dma_wait3A_147 : memref<1x128x16xf32, #tpu.memory_space<vmem>> -> memref<128x16xf32, #tpu.memory_space<vmem>>
        %dma_wait3A_149 = arith.constant 0 : i32
        %dma_wait3A_150 = tpu.memref_slice %arg8[%add3A_116, %dma_wait3A_149] : memref<80x128xi32, #tpu.memory_space<vmem>> -> memref<1x128xi32, #tpu.memory_space<vmem>>
        %dma_wait3A_151 = tpu.memref_squeeze %dma_wait3A_150 : memref<1x128xi32, #tpu.memory_space<vmem>> -> memref<128xi32, #tpu.memory_space<vmem>>
        %dma_wait3A_152 = arith.constant 0 : i32
        %dma_wait3A_153 = arith.constant 0 : i32
        %dma_wait3A_154 = tpu.memref_slice %arg10[%dma_wait3A_152, %dma_wait3A_153] : memref<10240x16xf32, #tpu.memory_space<vmem_shared>> -> memref<10240x16xf32, #tpu.memory_space<vmem_shared>>
        tpu.wait_indirect_dma semaphore(%run_scoped3A_134 : memref<!tpu.dma_semaphore, #tpu.memory_space<semaphore_mem>>) src(%dma_wait3A_148 : memref<128x16xf32, #tpu.memory_space<vmem>>) dst(%dma_wait3A_154 : memref<10240x16xf32, #tpu.memory_space<vmem_shared>>)
        tpu.yield
      }) : () -> ()
      %lt3A_129 = arith.constant 19 : i32
      %lt3A_130 = arith.cmpi slt, %scan3A_60, %lt3A_129 : i32
      %convert_element_type3A_131 = arith.extui %lt3A_130 : i1 to i32
      %cond3A_132 = arith.constant 0 : i32
      %cond3A_133 = arith.cmpi ne, %convert_element_type3A_131, %cond3A_132 : i32
      scf.if %cond3A_133 {
        %add3A_134 = arith.constant 4 : i32
        %add3A_135 = arith.addi %add3A_116, %add3A_134 : i32
        %dma_start3A_136 = arith.constant 3 : i32
        %dma_start3A_137 = arith.constant 0 : i32
        %dma_start3A_138 = arith.constant 0 : i32
        %dma_start3A_139 = tpu.memref_slice %arg9[%dma_start3A_136, %dma_start3A_137, %dma_start3A_138] : memref<4x128x16xf32, #tpu.memory_space<vmem>> -> memref<1x128x16xf32, #tpu.memory_space<vmem>>
        %dma_start3A_140 = tpu.memref_squeeze %dma_start3A_139 : memref<1x128x16xf32, #tpu.memory_space<vmem>> -> memref<128x16xf32, #tpu.memory_space<vmem>>
        %dma_start3A_141 = arith.constant 0 : i32
        %dma_start3A_142 = tpu.memref_slice %arg7[%add3A_135, %dma_start3A_141] : memref<80x128xi32, #tpu.memory_space<vmem>> -> memref<1x128xi32, #tpu.memory_space<vmem>>
        %dma_start3A_143 = tpu.memref_squeeze %dma_start3A_142 : memref<1x128xi32, #tpu.memory_space<vmem>> -> memref<128xi32, #tpu.memory_space<vmem>>
        %dma_start3A_144 = arith.constant 0 : i32
        %dma_start3A_145 = arith.constant 0 : i32
        %dma_start3A_146 = tpu.memref_slice %arg4[%dma_start3A_144, %dma_start3A_145] : memref<10240x16xf32, #tpu.memory_space<hbm>> -> memref<10240x16xf32, #tpu.memory_space<hbm>>
        tpu.enqueue_indirect_dma source(%dma_start3A_146 : memref<10240x16xf32, #tpu.memory_space<hbm>>) target(%dma_start3A_140 : memref<128x16xf32, #tpu.memory_space<vmem>>) offsets(%dma_start3A_143 : memref<128xi32, #tpu.memory_space<vmem>>) semaphore(%arg14 : memref<!tpu.dma_semaphore, #tpu.memory_space<semaphore_mem>>)
      } else {
      }
    }
    %scan3A_54 = arith.constant 20 : i32
    %barrier3A_55 = arith.constant 0 : index
    tpu.barrier barrier_id(%barrier3A_55)
    %mul3A_56 = arith.constant 640 : i32
    %mul3A_57 = arith.muli %arg1, %mul3A_56 : i32
    %mul3A_58 = arith.constant 640 : i32
    %mul3A_59 = arith.muli %arg1, %mul3A_58 : i32
    "tpu.region"() ({
      %run_scoped3A = tpu.sem_alloc : memref<!tpu.dma_semaphore, #tpu.memory_space<semaphore_mem>>
      %dma_start3A_60 = arith.constant 0 : i32
      %dma_start3A_61 = tpu.memref_slice %arg6[%arg0, %mul3A_59, %dma_start3A_60] : memref<2x10240x16xf32, #tpu.memory_space<hbm>> -> memref<1x640x16xf32, #tpu.memory_space<hbm>>
      %dma_start3A_62 = tpu.memref_squeeze %dma_start3A_61 : memref<1x640x16xf32, #tpu.memory_space<hbm>> -> memref<640x16xf32, #tpu.memory_space<hbm>>
      %dma_start3A_63 = arith.constant 0 : i32
      %dma_start3A_64 = tpu.memref_slice %arg10[%mul3A_57, %dma_start3A_63] : memref<10240x16xf32, #tpu.memory_space<vmem_shared>> -> memref<640x16xf32, #tpu.memory_space<vmem_shared>>
      tpu.enqueue_dma source(%dma_start3A_64 : memref<640x16xf32, #tpu.memory_space<vmem_shared>>) target(%dma_start3A_62 : memref<640x16xf32, #tpu.memory_space<hbm>>) target_semaphore(%run_scoped3A : memref<!tpu.dma_semaphore, #tpu.memory_space<semaphore_mem>>)
      %dma_wait3A = arith.constant 0 : i32
      %dma_wait3A_65 = tpu.memref_slice %arg6[%arg0, %mul3A_59, %dma_wait3A] : memref<2x10240x16xf32, #tpu.memory_space<hbm>> -> memref<1x640x16xf32, #tpu.memory_space<hbm>>
      %dma_wait3A_66 = tpu.memref_squeeze %dma_wait3A_65 : memref<1x640x16xf32, #tpu.memory_space<hbm>> -> memref<640x16xf32, #tpu.memory_space<hbm>>
      %dma_wait3A_67 = arith.constant 0 : i32
      %dma_wait3A_68 = tpu.memref_slice %arg10[%mul3A_57, %dma_wait3A_67] : memref<10240x16xf32, #tpu.memory_space<vmem_shared>> -> memref<640x16xf32, #tpu.memory_space<vmem_shared>>
      tpu.wait_dma2 semaphore(%run_scoped3A : memref<!tpu.dma_semaphore, #tpu.memory_space<semaphore_mem>>) src(%dma_wait3A_68 : memref<640x16xf32, #tpu.memory_space<vmem_shared>>) dst(%dma_wait3A_66 : memref<640x16xf32, #tpu.memory_space<hbm>>)
      tpu.yield
    }) : () -> ()
    return
  }
}

#map = affine_map<(d0, d1) -> (0, 0, 0)>
#map1 = affine_map<(d0, d1) -> (0, 0)>
module attributes {stable_mosaic.version = 14 : i64} {
  func.func @_sc_deg_body(%arg0: i32, %arg1: i32, %arg2: memref<32x80x128xi32, #tpu.memory_space<hbm>>, %arg3: memref<128x16xf32, #tpu.memory_space<hbm>>, %arg4: memref<640x16xf32, #tpu.memory_space<hbm>>, %arg5: memref<2x10240x16xf32, #tpu.memory_space<hbm>>, %arg6: memref<80x128xi32, #tpu.memory_space<vmem>>, %arg7: memref<128x16xf32, #tpu.memory_space<vmem>>, %arg8: memref<10240x16xf32, #tpu.memory_space<vmem_shared>>, %arg9: memref<!tpu.dma_semaphore, #tpu.memory_space<semaphore_mem>>) attributes {dimension_semantics = [#tpu.dimension_semantics<core_parallel>, #tpu.dimension_semantics<subcore_parallel>], iteration_bounds = array<i64: 2, 16>, scalar_prefetch = 0 : i64, scratch_operands = 4 : i64, tpu.core_type = #tpu.core_type<sc_vector_subcore>, window_params = [{transform_indices = #map}, {transform_indices = #map1}, {transform_indices = #map1}, {transform_indices = #map}]} {
    %mul3A = arith.constant 2 : i32
    %mul3A_0 = arith.muli %arg1, %mul3A : i32
    %add3A = arith.addi %mul3A_0, %arg0 : i32
    %mul3A_1 = arith.constant 640 : i32
    %mul3A_2 = arith.muli %arg1, %mul3A_1 : i32
    "tpu.region"() ({
      %run_scoped3A = tpu.sem_alloc : memref<!tpu.dma_semaphore, #tpu.memory_space<semaphore_mem>>
      %dma_start3A = arith.constant 0 : i32
      %dma_start3A_13 = tpu.memref_slice %arg8[%mul3A_2, %dma_start3A] : memref<10240x16xf32, #tpu.memory_space<vmem_shared>> -> memref<640x16xf32, #tpu.memory_space<vmem_shared>>
      tpu.enqueue_dma source(%arg4 : memref<640x16xf32, #tpu.memory_space<hbm>>) target(%dma_start3A_13 : memref<640x16xf32, #tpu.memory_space<vmem_shared>>) target_semaphore(%run_scoped3A : memref<!tpu.dma_semaphore, #tpu.memory_space<semaphore_mem>>)
      %dma_wait3A = arith.constant 0 : i32
      %dma_wait3A_14 = tpu.memref_slice %arg8[%mul3A_2, %dma_wait3A] : memref<10240x16xf32, #tpu.memory_space<vmem_shared>> -> memref<640x16xf32, #tpu.memory_space<vmem_shared>>
      tpu.wait_dma2 semaphore(%run_scoped3A : memref<!tpu.dma_semaphore, #tpu.memory_space<semaphore_mem>>) src(%arg4 : memref<640x16xf32, #tpu.memory_space<hbm>>) dst(%dma_wait3A_14 : memref<640x16xf32, #tpu.memory_space<vmem_shared>>)
      tpu.yield
    }) : () -> ()
    "tpu.region"() ({
      %run_scoped3A = tpu.sem_alloc : memref<!tpu.dma_semaphore, #tpu.memory_space<semaphore_mem>>
      tpu.enqueue_dma source(%arg3 : memref<128x16xf32, #tpu.memory_space<hbm>>) target(%arg7 : memref<128x16xf32, #tpu.memory_space<vmem>>) target_semaphore(%run_scoped3A : memref<!tpu.dma_semaphore, #tpu.memory_space<semaphore_mem>>)
      tpu.wait_dma2 semaphore(%run_scoped3A : memref<!tpu.dma_semaphore, #tpu.memory_space<semaphore_mem>>) src(%arg3 : memref<128x16xf32, #tpu.memory_space<hbm>>) dst(%arg7 : memref<128x16xf32, #tpu.memory_space<vmem>>)
      tpu.yield
    }) : () -> ()
    "tpu.region"() ({
      %run_scoped3A = tpu.sem_alloc : memref<!tpu.dma_semaphore, #tpu.memory_space<semaphore_mem>>
      %dma_start3A = arith.constant 0 : i32
      %dma_start3A_13 = arith.constant 0 : i32
      %dma_start3A_14 = tpu.memref_slice %arg2[%add3A, %dma_start3A, %dma_start3A_13] : memref<32x80x128xi32, #tpu.memory_space<hbm>> -> memref<1x80x128xi32, #tpu.memory_space<hbm>>
      %dma_start3A_15 = tpu.memref_squeeze %dma_start3A_14 : memref<1x80x128xi32, #tpu.memory_space<hbm>> -> memref<80x128xi32, #tpu.memory_space<hbm>>
      %dma_start3A_16 = arith.constant 0 : i32
      %dma_start3A_17 = arith.constant 0 : i32
      %dma_start3A_18 = tpu.memref_slice %arg2[%add3A, %dma_start3A_16, %dma_start3A_17] : memref<32x80x128xi32, #tpu.memory_space<hbm>> -> memref<1x80x128xi32, #tpu.memory_space<hbm>>
      %dma_start3A_19 = tpu.memref_squeeze %dma_start3A_18 : memref<1x80x128xi32, #tpu.memory_space<hbm>> -> memref<80x128xi32, #tpu.memory_space<hbm>>
      tpu.enqueue_dma source(%dma_start3A_19 : memref<80x128xi32, #tpu.memory_space<hbm>>) target(%arg6 : memref<80x128xi32, #tpu.memory_space<vmem>>) target_semaphore(%run_scoped3A : memref<!tpu.dma_semaphore, #tpu.memory_space<semaphore_mem>>)
      %dma_wait3A = arith.constant 0 : i32
      %dma_wait3A_20 = arith.constant 0 : i32
      %dma_wait3A_21 = tpu.memref_slice %arg2[%add3A, %dma_wait3A, %dma_wait3A_20] : memref<32x80x128xi32, #tpu.memory_space<hbm>> -> memref<1x80x128xi32, #tpu.memory_space<hbm>>
      %dma_wait3A_22 = tpu.memref_squeeze %dma_wait3A_21 : memref<1x80x128xi32, #tpu.memory_space<hbm>> -> memref<80x128xi32, #tpu.memory_space<hbm>>
      %dma_wait3A_23 = arith.constant 0 : i32
      %dma_wait3A_24 = arith.constant 0 : i32
      %dma_wait3A_25 = tpu.memref_slice %arg2[%add3A, %dma_wait3A_23, %dma_wait3A_24] : memref<32x80x128xi32, #tpu.memory_space<hbm>> -> memref<1x80x128xi32, #tpu.memory_space<hbm>>
      %dma_wait3A_26 = tpu.memref_squeeze %dma_wait3A_25 : memref<1x80x128xi32, #tpu.memory_space<hbm>> -> memref<80x128xi32, #tpu.memory_space<hbm>>
      tpu.wait_dma2 semaphore(%run_scoped3A : memref<!tpu.dma_semaphore, #tpu.memory_space<semaphore_mem>>) src(%dma_wait3A_26 : memref<80x128xi32, #tpu.memory_space<hbm>>) dst(%arg6 : memref<80x128xi32, #tpu.memory_space<vmem>>)
      tpu.yield
    }) : () -> ()
    %barrier3A = arith.constant 0 : index
    tpu.barrier barrier_id(%barrier3A)
    %scan3A = arith.constant 0 : i32
    %scan3A_3 = arith.constant 0 : i32
    %scan3A_4 = arith.constant 80 : i32
    %scan3A_5 = arith.addi %scan3A_3, %scan3A_4 : i32
    %scan3A_6 = arith.constant 1 : i32
    scf.for %scan3A_13 = %scan3A_3 to %scan3A_5 step %scan3A_6  : i32 {
      "tpu.region"() ({
        %run_scoped3A = tpu.sem_alloc : memref<!tpu.dma_semaphore, #tpu.memory_space<semaphore_mem>>
        %dma_start3A = arith.constant 0 : i32
        %dma_start3A_14 = tpu.memref_slice %arg6[%scan3A_13, %dma_start3A] : memref<80x128xi32, #tpu.memory_space<vmem>> -> memref<1x128xi32, #tpu.memory_space<vmem>>
        %dma_start3A_15 = tpu.memref_squeeze %dma_start3A_14 : memref<1x128xi32, #tpu.memory_space<vmem>> -> memref<128xi32, #tpu.memory_space<vmem>>
        %dma_start3A_16 = arith.constant 0 : i32
        %dma_start3A_17 = arith.constant 0 : i32
        %dma_start3A_18 = tpu.memref_slice %arg8[%dma_start3A_16, %dma_start3A_17] : memref<10240x16xf32, #tpu.memory_space<vmem_shared>> -> memref<10240x16xf32, #tpu.memory_space<vmem_shared>>
        tpu.enqueue_indirect_dma source(%arg7 : memref<128x16xf32, #tpu.memory_space<vmem>>) target(%dma_start3A_18 : memref<10240x16xf32, #tpu.memory_space<vmem_shared>>) offsets(%dma_start3A_15 : memref<128xi32, #tpu.memory_space<vmem>>) semaphore(%run_scoped3A : memref<!tpu.dma_semaphore, #tpu.memory_space<semaphore_mem>>) {add = true}
        %dma_wait3A = arith.constant 0 : i32
        %dma_wait3A_19 = tpu.memref_slice %arg6[%scan3A_13, %dma_wait3A] : memref<80x128xi32, #tpu.memory_space<vmem>> -> memref<1x128xi32, #tpu.memory_space<vmem>>
        %dma_wait3A_20 = tpu.memref_squeeze %dma_wait3A_19 : memref<1x128xi32, #tpu.memory_space<vmem>> -> memref<128xi32, #tpu.memory_space<vmem>>
        %dma_wait3A_21 = arith.constant 0 : i32
        %dma_wait3A_22 = arith.constant 0 : i32
        %dma_wait3A_23 = tpu.memref_slice %arg8[%dma_wait3A_21, %dma_wait3A_22] : memref<10240x16xf32, #tpu.memory_space<vmem_shared>> -> memref<10240x16xf32, #tpu.memory_space<vmem_shared>>
        tpu.wait_indirect_dma semaphore(%run_scoped3A : memref<!tpu.dma_semaphore, #tpu.memory_space<semaphore_mem>>) src(%arg7 : memref<128x16xf32, #tpu.memory_space<vmem>>) dst(%dma_wait3A_23 : memref<10240x16xf32, #tpu.memory_space<vmem_shared>>)
        tpu.yield
      }) : () -> ()
    }
    %scan3A_7 = arith.constant 80 : i32
    %barrier3A_8 = arith.constant 0 : index
    tpu.barrier barrier_id(%barrier3A_8)
    %mul3A_9 = arith.constant 640 : i32
    %mul3A_10 = arith.muli %arg1, %mul3A_9 : i32
    %mul3A_11 = arith.constant 640 : i32
    %mul3A_12 = arith.muli %arg1, %mul3A_11 : i32
    "tpu.region"() ({
      %run_scoped3A = tpu.sem_alloc : memref<!tpu.dma_semaphore, #tpu.memory_space<semaphore_mem>>
      %dma_start3A = arith.constant 0 : i32
      %dma_start3A_13 = tpu.memref_slice %arg5[%arg0, %mul3A_12, %dma_start3A] : memref<2x10240x16xf32, #tpu.memory_space<hbm>> -> memref<1x640x16xf32, #tpu.memory_space<hbm>>
      %dma_start3A_14 = tpu.memref_squeeze %dma_start3A_13 : memref<1x640x16xf32, #tpu.memory_space<hbm>> -> memref<640x16xf32, #tpu.memory_space<hbm>>
      %dma_start3A_15 = arith.constant 0 : i32
      %dma_start3A_16 = tpu.memref_slice %arg8[%mul3A_10, %dma_start3A_15] : memref<10240x16xf32, #tpu.memory_space<vmem_shared>> -> memref<640x16xf32, #tpu.memory_space<vmem_shared>>
      tpu.enqueue_dma source(%dma_start3A_16 : memref<640x16xf32, #tpu.memory_space<vmem_shared>>) target(%dma_start3A_14 : memref<640x16xf32, #tpu.memory_space<hbm>>) target_semaphore(%run_scoped3A : memref<!tpu.dma_semaphore, #tpu.memory_space<semaphore_mem>>)
      %dma_wait3A = arith.constant 0 : i32
      %dma_wait3A_17 = tpu.memref_slice %arg5[%arg0, %mul3A_12, %dma_wait3A] : memref<2x10240x16xf32, #tpu.memory_space<hbm>> -> memref<1x640x16xf32, #tpu.memory_space<hbm>>
      %dma_wait3A_18 = tpu.memref_squeeze %dma_wait3A_17 : memref<1x640x16xf32, #tpu.memory_space<hbm>> -> memref<640x16xf32, #tpu.memory_space<hbm>>
      %dma_wait3A_19 = arith.constant 0 : i32
      %dma_wait3A_20 = tpu.memref_slice %arg8[%mul3A_10, %dma_wait3A_19] : memref<10240x16xf32, #tpu.memory_space<vmem_shared>> -> memref<640x16xf32, #tpu.memory_space<vmem_shared>>
      tpu.wait_dma2 semaphore(%run_scoped3A : memref<!tpu.dma_semaphore, #tpu.memory_space<semaphore_mem>>) src(%dma_wait3A_20 : memref<640x16xf32, #tpu.memory_space<vmem_shared>>) dst(%dma_wait3A_18 : memref<640x16xf32, #tpu.memory_space<hbm>>)
      tpu.yield
    }) : () -> ()
    return
  }
}

#map = affine_map<(d0, d1) -> (0, 0, 0)>
#map1 = affine_map<(d0, d1) -> (0, 0)>
module attributes {stable_mosaic.version = 14 : i64} {
  func.func @_sc_msg_body(%arg0: i32, %arg1: i32, %arg2: memref<32x80x128xi32, #tpu.memory_space<hbm>>, %arg3: memref<32x80x128xi32, #tpu.memory_space<hbm>>, %arg4: memref<10240x16xf32, #tpu.memory_space<hbm>>, %arg5: memref<640x16xf32, #tpu.memory_space<hbm>>, %arg6: memref<2x10240x16xf32, #tpu.memory_space<hbm>>, %arg7: memref<80x128xi32, #tpu.memory_space<vmem>>, %arg8: memref<80x128xi32, #tpu.memory_space<vmem>>, %arg9: memref<4x128x16xf32, #tpu.memory_space<vmem>>, %arg10: memref<10240x16xf32, #tpu.memory_space<vmem_shared>>, %arg11: memref<!tpu.dma_semaphore, #tpu.memory_space<semaphore_mem>>, %arg12: memref<!tpu.dma_semaphore, #tpu.memory_space<semaphore_mem>>, %arg13: memref<!tpu.dma_semaphore, #tpu.memory_space<semaphore_mem>>, %arg14: memref<!tpu.dma_semaphore, #tpu.memory_space<semaphore_mem>>, %arg15: memref<!tpu.dma_semaphore, #tpu.memory_space<semaphore_mem>>) attributes {dimension_semantics = [#tpu.dimension_semantics<core_parallel>, #tpu.dimension_semantics<subcore_parallel>], iteration_bounds = array<i64: 2, 16>, scalar_prefetch = 0 : i64, scratch_operands = 9 : i64, tpu.core_type = #tpu.core_type<sc_vector_subcore>, window_params = [{transform_indices = #map}, {transform_indices = #map}, {transform_indices = #map1}, {transform_indices = #map1}, {transform_indices = #map}]} {
    %mul3A = arith.constant 2 : i32
    %mul3A_0 = arith.muli %arg1, %mul3A : i32
    %add3A = arith.addi %mul3A_0, %arg0 : i32
    %mul3A_1 = arith.constant 640 : i32
    %mul3A_2 = arith.muli %arg1, %mul3A_1 : i32
    "tpu.region"() ({
      %run_scoped3A = tpu.sem_alloc : memref<!tpu.dma_semaphore, #tpu.memory_space<semaphore_mem>>
      %dma_start3A_60 = arith.constant 0 : i32
      %dma_start3A_61 = tpu.memref_slice %arg10[%mul3A_2, %dma_start3A_60] : memref<10240x16xf32, #tpu.memory_space<vmem_shared>> -> memref<640x16xf32, #tpu.memory_space<vmem_shared>>
      tpu.enqueue_dma source(%arg5 : memref<640x16xf32, #tpu.memory_space<hbm>>) target(%dma_start3A_61 : memref<640x16xf32, #tpu.memory_space<vmem_shared>>) target_semaphore(%run_scoped3A : memref<!tpu.dma_semaphore, #tpu.memory_space<semaphore_mem>>)
      %dma_wait3A = arith.constant 0 : i32
      %dma_wait3A_62 = tpu.memref_slice %arg10[%mul3A_2, %dma_wait3A] : memref<10240x16xf32, #tpu.memory_space<vmem_shared>> -> memref<640x16xf32, #tpu.memory_space<vmem_shared>>
      tpu.wait_dma2 semaphore(%run_scoped3A : memref<!tpu.dma_semaphore, #tpu.memory_space<semaphore_mem>>) src(%arg5 : memref<640x16xf32, #tpu.memory_space<hbm>>) dst(%dma_wait3A_62 : memref<640x16xf32, #tpu.memory_space<vmem_shared>>)
      tpu.yield
    }) : () -> ()
    "tpu.region"() ({
      %run_scoped3A = tpu.sem_alloc : memref<!tpu.dma_semaphore, #tpu.memory_space<semaphore_mem>>
      %dma_start3A_60 = arith.constant 0 : i32
      %dma_start3A_61 = arith.constant 0 : i32
      %dma_start3A_62 = tpu.memref_slice %arg2[%add3A, %dma_start3A_60, %dma_start3A_61] : memref<32x80x128xi32, #tpu.memory_space<hbm>> -> memref<1x80x128xi32, #tpu.memory_space<hbm>>
      %dma_start3A_63 = tpu.memref_squeeze %dma_start3A_62 : memref<1x80x128xi32, #tpu.memory_space<hbm>> -> memref<80x128xi32, #tpu.memory_space<hbm>>
      %dma_start3A_64 = arith.constant 0 : i32
      %dma_start3A_65 = arith.constant 0 : i32
      %dma_start3A_66 = tpu.memref_slice %arg2[%add3A, %dma_start3A_64, %dma_start3A_65] : memref<32x80x128xi32, #tpu.memory_space<hbm>> -> memref<1x80x128xi32, #tpu.memory_space<hbm>>
      %dma_start3A_67 = tpu.memref_squeeze %dma_start3A_66 : memref<1x80x128xi32, #tpu.memory_space<hbm>> -> memref<80x128xi32, #tpu.memory_space<hbm>>
      tpu.enqueue_dma source(%dma_start3A_67 : memref<80x128xi32, #tpu.memory_space<hbm>>) target(%arg7 : memref<80x128xi32, #tpu.memory_space<vmem>>) target_semaphore(%run_scoped3A : memref<!tpu.dma_semaphore, #tpu.memory_space<semaphore_mem>>)
      %dma_wait3A = arith.constant 0 : i32
      %dma_wait3A_68 = arith.constant 0 : i32
      %dma_wait3A_69 = tpu.memref_slice %arg2[%add3A, %dma_wait3A, %dma_wait3A_68] : memref<32x80x128xi32, #tpu.memory_space<hbm>> -> memref<1x80x128xi32, #tpu.memory_space<hbm>>
      %dma_wait3A_70 = tpu.memref_squeeze %dma_wait3A_69 : memref<1x80x128xi32, #tpu.memory_space<hbm>> -> memref<80x128xi32, #tpu.memory_space<hbm>>
      %dma_wait3A_71 = arith.constant 0 : i32
      %dma_wait3A_72 = arith.constant 0 : i32
      %dma_wait3A_73 = tpu.memref_slice %arg2[%add3A, %dma_wait3A_71, %dma_wait3A_72] : memref<32x80x128xi32, #tpu.memory_space<hbm>> -> memref<1x80x128xi32, #tpu.memory_space<hbm>>
      %dma_wait3A_74 = tpu.memref_squeeze %dma_wait3A_73 : memref<1x80x128xi32, #tpu.memory_space<hbm>> -> memref<80x128xi32, #tpu.memory_space<hbm>>
      tpu.wait_dma2 semaphore(%run_scoped3A : memref<!tpu.dma_semaphore, #tpu.memory_space<semaphore_mem>>) src(%dma_wait3A_74 : memref<80x128xi32, #tpu.memory_space<hbm>>) dst(%arg7 : memref<80x128xi32, #tpu.memory_space<vmem>>)
      tpu.yield
    }) : () -> ()
    "tpu.region"() ({
      %run_scoped3A = tpu.sem_alloc : memref<!tpu.dma_semaphore, #tpu.memory_space<semaphore_mem>>
      %dma_start3A_60 = arith.constant 0 : i32
      %dma_start3A_61 = arith.constant 0 : i32
      %dma_start3A_62 = tpu.memref_slice %arg3[%add3A, %dma_start3A_60, %dma_start3A_61] : memref<32x80x128xi32, #tpu.memory_space<hbm>> -> memref<1x80x128xi32, #tpu.memory_space<hbm>>
      %dma_start3A_63 = tpu.memref_squeeze %dma_start3A_62 : memref<1x80x128xi32, #tpu.memory_space<hbm>> -> memref<80x128xi32, #tpu.memory_space<hbm>>
      %dma_start3A_64 = arith.constant 0 : i32
      %dma_start3A_65 = arith.constant 0 : i32
      %dma_start3A_66 = tpu.memref_slice %arg3[%add3A, %dma_start3A_64, %dma_start3A_65] : memref<32x80x128xi32, #tpu.memory_space<hbm>> -> memref<1x80x128xi32, #tpu.memory_space<hbm>>
      %dma_start3A_67 = tpu.memref_squeeze %dma_start3A_66 : memref<1x80x128xi32, #tpu.memory_space<hbm>> -> memref<80x128xi32, #tpu.memory_space<hbm>>
      tpu.enqueue_dma source(%dma_start3A_67 : memref<80x128xi32, #tpu.memory_space<hbm>>) target(%arg8 : memref<80x128xi32, #tpu.memory_space<vmem>>) target_semaphore(%run_scoped3A : memref<!tpu.dma_semaphore, #tpu.memory_space<semaphore_mem>>)
      %dma_wait3A = arith.constant 0 : i32
      %dma_wait3A_68 = arith.constant 0 : i32
      %dma_wait3A_69 = tpu.memref_slice %arg3[%add3A, %dma_wait3A, %dma_wait3A_68] : memref<32x80x128xi32, #tpu.memory_space<hbm>> -> memref<1x80x128xi32, #tpu.memory_space<hbm>>
      %dma_wait3A_70 = tpu.memref_squeeze %dma_wait3A_69 : memref<1x80x128xi32, #tpu.memory_space<hbm>> -> memref<80x128xi32, #tpu.memory_space<hbm>>
      %dma_wait3A_71 = arith.constant 0 : i32
      %dma_wait3A_72 = arith.constant 0 : i32
      %dma_wait3A_73 = tpu.memref_slice %arg3[%add3A, %dma_wait3A_71, %dma_wait3A_72] : memref<32x80x128xi32, #tpu.memory_space<hbm>> -> memref<1x80x128xi32, #tpu.memory_space<hbm>>
      %dma_wait3A_74 = tpu.memref_squeeze %dma_wait3A_73 : memref<1x80x128xi32, #tpu.memory_space<hbm>> -> memref<80x128xi32, #tpu.memory_space<hbm>>
      tpu.wait_dma2 semaphore(%run_scoped3A : memref<!tpu.dma_semaphore, #tpu.memory_space<semaphore_mem>>) src(%dma_wait3A_74 : memref<80x128xi32, #tpu.memory_space<hbm>>) dst(%arg8 : memref<80x128xi32, #tpu.memory_space<vmem>>)
      tpu.yield
    }) : () -> ()
    %barrier3A = arith.constant 0 : index
    tpu.barrier barrier_id(%barrier3A)
    %dma_start3A = arith.constant 0 : i32
    %dma_start3A_3 = arith.constant 0 : i32
    %dma_start3A_4 = arith.constant 0 : i32
    %dma_start3A_5 = arith.constant 0 : i32
    %dma_start3A_6 = tpu.memref_slice %arg9[%dma_start3A_3, %dma_start3A_4, %dma_start3A_5] : memref<4x128x16xf32, #tpu.memory_space<vmem>> -> memref<1x128x16xf32, #tpu.memory_space<vmem>>
    %dma_start3A_7 = tpu.memref_squeeze %dma_start3A_6 : memref<1x128x16xf32, #tpu.memory_space<vmem>> -> memref<128x16xf32, #tpu.memory_space<vmem>>
    %dma_start3A_8 = arith.constant 0 : i32
    %dma_start3A_9 = tpu.memref_slice %arg7[%dma_start3A, %dma_start3A_8] : memref<80x128xi32, #tpu.memory_space<vmem>> -> memref<1x128xi32, #tpu.memory_space<vmem>>
    %dma_start3A_10 = tpu.memref_squeeze %dma_start3A_9 : memref<1x128xi32, #tpu.memory_space<vmem>> -> memref<128xi32, #tpu.memory_space<vmem>>
    %dma_start3A_11 = arith.constant 0 : i32
    %dma_start3A_12 = arith.constant 0 : i32
    %dma_start3A_13 = tpu.memref_slice %arg4[%dma_start3A_11, %dma_start3A_12] : memref<10240x16xf32, #tpu.memory_space<hbm>> -> memref<10240x16xf32, #tpu.memory_space<hbm>>
    tpu.enqueue_indirect_dma source(%dma_start3A_13 : memref<10240x16xf32, #tpu.memory_space<hbm>>) target(%dma_start3A_7 : memref<128x16xf32, #tpu.memory_space<vmem>>) offsets(%dma_start3A_10 : memref<128xi32, #tpu.memory_space<vmem>>) semaphore(%arg11 : memref<!tpu.dma_semaphore, #tpu.memory_space<semaphore_mem>>)
    %dma_start3A_14 = arith.constant 1 : i32
    %dma_start3A_15 = arith.constant 1 : i32
    %dma_start3A_16 = arith.constant 0 : i32
    %dma_start3A_17 = arith.constant 0 : i32
    %dma_start3A_18 = tpu.memref_slice %arg9[%dma_start3A_15, %dma_start3A_16, %dma_start3A_17] : memref<4x128x16xf32, #tpu.memory_space<vmem>> -> memref<1x128x16xf32, #tpu.memory_space<vmem>>
    %dma_start3A_19 = tpu.memref_squeeze %dma_start3A_18 : memref<1x128x16xf32, #tpu.memory_space<vmem>> -> memref<128x16xf32, #tpu.memory_space<vmem>>
    %dma_start3A_20 = arith.constant 0 : i32
    %dma_start3A_21 = tpu.memref_slice %arg7[%dma_start3A_14, %dma_start3A_20] : memref<80x128xi32, #tpu.memory_space<vmem>> -> memref<1x128xi32, #tpu.memory_space<vmem>>
    %dma_start3A_22 = tpu.memref_squeeze %dma_start3A_21 : memref<1x128xi32, #tpu.memory_space<vmem>> -> memref<128xi32, #tpu.memory_space<vmem>>
    %dma_start3A_23 = arith.constant 0 : i32
    %dma_start3A_24 = arith.constant 0 : i32
    %dma_start3A_25 = tpu.memref_slice %arg4[%dma_start3A_23, %dma_start3A_24] : memref<10240x16xf32, #tpu.memory_space<hbm>> -> memref<10240x16xf32, #tpu.memory_space<hbm>>
    tpu.enqueue_indirect_dma source(%dma_start3A_25 : memref<10240x16xf32, #tpu.memory_space<hbm>>) target(%dma_start3A_19 : memref<128x16xf32, #tpu.memory_space<vmem>>) offsets(%dma_start3A_22 : memref<128xi32, #tpu.memory_space<vmem>>) semaphore(%arg12 : memref<!tpu.dma_semaphore, #tpu.memory_space<semaphore_mem>>)
    %dma_start3A_26 = arith.constant 2 : i32
    %dma_start3A_27 = arith.constant 2 : i32
    %dma_start3A_28 = arith.constant 0 : i32
    %dma_start3A_29 = arith.constant 0 : i32
    %dma_start3A_30 = tpu.memref_slice %arg9[%dma_start3A_27, %dma_start3A_28, %dma_start3A_29] : memref<4x128x16xf32, #tpu.memory_space<vmem>> -> memref<1x128x16xf32, #tpu.memory_space<vmem>>
    %dma_start3A_31 = tpu.memref_squeeze %dma_start3A_30 : memref<1x128x16xf32, #tpu.memory_space<vmem>> -> memref<128x16xf32, #tpu.memory_space<vmem>>
    %dma_start3A_32 = arith.constant 0 : i32
    %dma_start3A_33 = tpu.memref_slice %arg7[%dma_start3A_26, %dma_start3A_32] : memref<80x128xi32, #tpu.memory_space<vmem>> -> memref<1x128xi32, #tpu.memory_space<vmem>>
    %dma_start3A_34 = tpu.memref_squeeze %dma_start3A_33 : memref<1x128xi32, #tpu.memory_space<vmem>> -> memref<128xi32, #tpu.memory_space<vmem>>
    %dma_start3A_35 = arith.constant 0 : i32
    %dma_start3A_36 = arith.constant 0 : i32
    %dma_start3A_37 = tpu.memref_slice %arg4[%dma_start3A_35, %dma_start3A_36] : memref<10240x16xf32, #tpu.memory_space<hbm>> -> memref<10240x16xf32, #tpu.memory_space<hbm>>
    tpu.enqueue_indirect_dma source(%dma_start3A_37 : memref<10240x16xf32, #tpu.memory_space<hbm>>) target(%dma_start3A_31 : memref<128x16xf32, #tpu.memory_space<vmem>>) offsets(%dma_start3A_34 : memref<128xi32, #tpu.memory_space<vmem>>) semaphore(%arg13 : memref<!tpu.dma_semaphore, #tpu.memory_space<semaphore_mem>>)
    %dma_start3A_38 = arith.constant 3 : i32
    %dma_start3A_39 = arith.constant 3 : i32
    %dma_start3A_40 = arith.constant 0 : i32
    %dma_start3A_41 = arith.constant 0 : i32
    %dma_start3A_42 = tpu.memref_slice %arg9[%dma_start3A_39, %dma_start3A_40, %dma_start3A_41] : memref<4x128x16xf32, #tpu.memory_space<vmem>> -> memref<1x128x16xf32, #tpu.memory_space<vmem>>
    %dma_start3A_43 = tpu.memref_squeeze %dma_start3A_42 : memref<1x128x16xf32, #tpu.memory_space<vmem>> -> memref<128x16xf32, #tpu.memory_space<vmem>>
    %dma_start3A_44 = arith.constant 0 : i32
    %dma_start3A_45 = tpu.memref_slice %arg7[%dma_start3A_38, %dma_start3A_44] : memref<80x128xi32, #tpu.memory_space<vmem>> -> memref<1x128xi32, #tpu.memory_space<vmem>>
    %dma_start3A_46 = tpu.memref_squeeze %dma_start3A_45 : memref<1x128xi32, #tpu.memory_space<vmem>> -> memref<128xi32, #tpu.memory_space<vmem>>
    %dma_start3A_47 = arith.constant 0 : i32
    %dma_start3A_48 = arith.constant 0 : i32
    %dma_start3A_49 = tpu.memref_slice %arg4[%dma_start3A_47, %dma_start3A_48] : memref<10240x16xf32, #tpu.memory_space<hbm>> -> memref<10240x16xf32, #tpu.memory_space<hbm>>
    tpu.enqueue_indirect_dma source(%dma_start3A_49 : memref<10240x16xf32, #tpu.memory_space<hbm>>) target(%dma_start3A_43 : memref<128x16xf32, #tpu.memory_space<vmem>>) offsets(%dma_start3A_46 : memref<128xi32, #tpu.memory_space<vmem>>) semaphore(%arg14 : memref<!tpu.dma_semaphore, #tpu.memory_space<semaphore_mem>>)
    %scan3A = arith.constant 0 : i32
    %scan3A_50 = arith.constant 0 : i32
    %scan3A_51 = arith.constant 20 : i32
    %scan3A_52 = arith.addi %scan3A_50, %scan3A_51 : i32
    %scan3A_53 = arith.constant 1 : i32
    scf.for %scan3A_60 = %scan3A_50 to %scan3A_52 step %scan3A_53  : i32 {
      %mul3A_61 = arith.constant 4 : i32
      %mul3A_62 = arith.muli %scan3A_60, %mul3A_61 : i32
      %add3A_63 = arith.constant 0 : i32
      %add3A_64 = arith.addi %mul3A_62, %add3A_63 : i32
      %dma_wait3A = arith.constant 0 : i32
      %dma_wait3A_65 = arith.constant 0 : i32
      %dma_wait3A_66 = arith.constant 0 : i32
      %dma_wait3A_67 = tpu.memref_slice %arg9[%dma_wait3A, %dma_wait3A_65, %dma_wait3A_66] : memref<4x128x16xf32, #tpu.memory_space<vmem>> -> memref<1x128x16xf32, #tpu.memory_space<vmem>>
      %dma_wait3A_68 = tpu.memref_squeeze %dma_wait3A_67 : memref<1x128x16xf32, #tpu.memory_space<vmem>> -> memref<128x16xf32, #tpu.memory_space<vmem>>
      %dma_wait3A_69 = arith.constant 0 : i32
      %dma_wait3A_70 = tpu.memref_slice %arg7[%add3A_64, %dma_wait3A_69] : memref<80x128xi32, #tpu.memory_space<vmem>> -> memref<1x128xi32, #tpu.memory_space<vmem>>
      %dma_wait3A_71 = tpu.memref_squeeze %dma_wait3A_70 : memref<1x128xi32, #tpu.memory_space<vmem>> -> memref<128xi32, #tpu.memory_space<vmem>>
      %dma_wait3A_72 = arith.constant 0 : i32
      %dma_wait3A_73 = arith.constant 0 : i32
      %dma_wait3A_74 = tpu.memref_slice %arg4[%dma_wait3A_72, %dma_wait3A_73] : memref<10240x16xf32, #tpu.memory_space<hbm>> -> memref<10240x16xf32, #tpu.memory_space<hbm>>
      tpu.wait_indirect_dma semaphore(%arg11 : memref<!tpu.dma_semaphore, #tpu.memory_space<semaphore_mem>>) src(%dma_wait3A_74 : memref<10240x16xf32, #tpu.memory_space<hbm>>) dst(%dma_wait3A_68 : memref<128x16xf32, #tpu.memory_space<vmem>>)
      %run_scoped3A = arith.constant 0 : i32
      "tpu.region"() ({
        %run_scoped3A_134 = tpu.sem_alloc : memref<!tpu.dma_semaphore, #tpu.memory_space<semaphore_mem>>
        %dma_start3A_135 = arith.constant 0 : i32
        %dma_start3A_136 = arith.constant 0 : i32
        %dma_start3A_137 = tpu.memref_slice %arg9[%run_scoped3A, %dma_start3A_135, %dma_start3A_136] : memref<4x128x16xf32, #tpu.memory_space<vmem>> -> memref<1x128x16xf32, #tpu.memory_space<vmem>>
        %dma_start3A_138 = tpu.memref_squeeze %dma_start3A_137 : memref<1x128x16xf32, #tpu.memory_space<vmem>> -> memref<128x16xf32, #tpu.memory_space<vmem>>
        %dma_start3A_139 = arith.constant 0 : i32
        %dma_start3A_140 = tpu.memref_slice %arg8[%add3A_64, %dma_start3A_139] : memref<80x128xi32, #tpu.memory_space<vmem>> -> memref<1x128xi32, #tpu.memory_space<vmem>>
        %dma_start3A_141 = tpu.memref_squeeze %dma_start3A_140 : memref<1x128xi32, #tpu.memory_space<vmem>> -> memref<128xi32, #tpu.memory_space<vmem>>
        %dma_start3A_142 = arith.constant 0 : i32
        %dma_start3A_143 = arith.constant 0 : i32
        %dma_start3A_144 = tpu.memref_slice %arg10[%dma_start3A_142, %dma_start3A_143] : memref<10240x16xf32, #tpu.memory_space<vmem_shared>> -> memref<10240x16xf32, #tpu.memory_space<vmem_shared>>
        tpu.enqueue_indirect_dma source(%dma_start3A_138 : memref<128x16xf32, #tpu.memory_space<vmem>>) target(%dma_start3A_144 : memref<10240x16xf32, #tpu.memory_space<vmem_shared>>) offsets(%dma_start3A_141 : memref<128xi32, #tpu.memory_space<vmem>>) semaphore(%run_scoped3A_134 : memref<!tpu.dma_semaphore, #tpu.memory_space<semaphore_mem>>) {add = true}
        %dma_wait3A_145 = arith.constant 0 : i32
        %dma_wait3A_146 = arith.constant 0 : i32
        %dma_wait3A_147 = tpu.memref_slice %arg9[%run_scoped3A, %dma_wait3A_145, %dma_wait3A_146] : memref<4x128x16xf32, #tpu.memory_space<vmem>> -> memref<1x128x16xf32, #tpu.memory_space<vmem>>
        %dma_wait3A_148 = tpu.memref_squeeze %dma_wait3A_147 : memref<1x128x16xf32, #tpu.memory_space<vmem>> -> memref<128x16xf32, #tpu.memory_space<vmem>>
        %dma_wait3A_149 = arith.constant 0 : i32
        %dma_wait3A_150 = tpu.memref_slice %arg8[%add3A_64, %dma_wait3A_149] : memref<80x128xi32, #tpu.memory_space<vmem>> -> memref<1x128xi32, #tpu.memory_space<vmem>>
        %dma_wait3A_151 = tpu.memref_squeeze %dma_wait3A_150 : memref<1x128xi32, #tpu.memory_space<vmem>> -> memref<128xi32, #tpu.memory_space<vmem>>
        %dma_wait3A_152 = arith.constant 0 : i32
        %dma_wait3A_153 = arith.constant 0 : i32
        %dma_wait3A_154 = tpu.memref_slice %arg10[%dma_wait3A_152, %dma_wait3A_153] : memref<10240x16xf32, #tpu.memory_space<vmem_shared>> -> memref<10240x16xf32, #tpu.memory_space<vmem_shared>>
        tpu.wait_indirect_dma semaphore(%run_scoped3A_134 : memref<!tpu.dma_semaphore, #tpu.memory_space<semaphore_mem>>) src(%dma_wait3A_148 : memref<128x16xf32, #tpu.memory_space<vmem>>) dst(%dma_wait3A_154 : memref<10240x16xf32, #tpu.memory_space<vmem_shared>>)
        tpu.yield
      }) : () -> ()
      %lt3A = arith.constant 19 : i32
      %lt3A_75 = arith.cmpi slt, %scan3A_60, %lt3A : i32
      %convert_element_type3A = arith.extui %lt3A_75 : i1 to i32
      %cond3A = arith.constant 0 : i32
      %cond3A_76 = arith.cmpi ne, %convert_element_type3A, %cond3A : i32
      scf.if %cond3A_76 {
        %add3A_134 = arith.constant 4 : i32
        %add3A_135 = arith.addi %add3A_64, %add3A_134 : i32
        %dma_start3A_136 = arith.constant 0 : i32
        %dma_start3A_137 = arith.constant 0 : i32
        %dma_start3A_138 = arith.constant 0 : i32
        %dma_start3A_139 = tpu.memref_slice %arg9[%dma_start3A_136, %dma_start3A_137, %dma_start3A_138] : memref<4x128x16xf32, #tpu.memory_space<vmem>> -> memref<1x128x16xf32, #tpu.memory_space<vmem>>
        %dma_start3A_140 = tpu.memref_squeeze %dma_start3A_139 : memref<1x128x16xf32, #tpu.memory_space<vmem>> -> memref<128x16xf32, #tpu.memory_space<vmem>>
        %dma_start3A_141 = arith.constant 0 : i32
        %dma_start3A_142 = tpu.memref_slice %arg7[%add3A_135, %dma_start3A_141] : memref<80x128xi32, #tpu.memory_space<vmem>> -> memref<1x128xi32, #tpu.memory_space<vmem>>
        %dma_start3A_143 = tpu.memref_squeeze %dma_start3A_142 : memref<1x128xi32, #tpu.memory_space<vmem>> -> memref<128xi32, #tpu.memory_space<vmem>>
        %dma_start3A_144 = arith.constant 0 : i32
        %dma_start3A_145 = arith.constant 0 : i32
        %dma_start3A_146 = tpu.memref_slice %arg4[%dma_start3A_144, %dma_start3A_145] : memref<10240x16xf32, #tpu.memory_space<hbm>> -> memref<10240x16xf32, #tpu.memory_space<hbm>>
        tpu.enqueue_indirect_dma source(%dma_start3A_146 : memref<10240x16xf32, #tpu.memory_space<hbm>>) target(%dma_start3A_140 : memref<128x16xf32, #tpu.memory_space<vmem>>) offsets(%dma_start3A_143 : memref<128xi32, #tpu.memory_space<vmem>>) semaphore(%arg11 : memref<!tpu.dma_semaphore, #tpu.memory_space<semaphore_mem>>)
      } else {
      }
      %add3A_77 = arith.constant 1 : i32
      %add3A_78 = arith.addi %mul3A_62, %add3A_77 : i32
      %dma_wait3A_79 = arith.constant 1 : i32
      %dma_wait3A_80 = arith.constant 0 : i32
      %dma_wait3A_81 = arith.constant 0 : i32
      %dma_wait3A_82 = tpu.memref_slice %arg9[%dma_wait3A_79, %dma_wait3A_80, %dma_wait3A_81] : memref<4x128x16xf32, #tpu.memory_space<vmem>> -> memref<1x128x16xf32, #tpu.memory_space<vmem>>
      %dma_wait3A_83 = tpu.memref_squeeze %dma_wait3A_82 : memref<1x128x16xf32, #tpu.memory_space<vmem>> -> memref<128x16xf32, #tpu.memory_space<vmem>>
      %dma_wait3A_84 = arith.constant 0 : i32
      %dma_wait3A_85 = tpu.memref_slice %arg7[%add3A_78, %dma_wait3A_84] : memref<80x128xi32, #tpu.memory_space<vmem>> -> memref<1x128xi32, #tpu.memory_space<vmem>>
      %dma_wait3A_86 = tpu.memref_squeeze %dma_wait3A_85 : memref<1x128xi32, #tpu.memory_space<vmem>> -> memref<128xi32, #tpu.memory_space<vmem>>
      %dma_wait3A_87 = arith.constant 0 : i32
      %dma_wait3A_88 = arith.constant 0 : i32
      %dma_wait3A_89 = tpu.memref_slice %arg4[%dma_wait3A_87, %dma_wait3A_88] : memref<10240x16xf32, #tpu.memory_space<hbm>> -> memref<10240x16xf32, #tpu.memory_space<hbm>>
      tpu.wait_indirect_dma semaphore(%arg12 : memref<!tpu.dma_semaphore, #tpu.memory_space<semaphore_mem>>) src(%dma_wait3A_89 : memref<10240x16xf32, #tpu.memory_space<hbm>>) dst(%dma_wait3A_83 : memref<128x16xf32, #tpu.memory_space<vmem>>)
      %run_scoped3A_90 = arith.constant 1 : i32
      "tpu.region"() ({
        %run_scoped3A_134 = tpu.sem_alloc : memref<!tpu.dma_semaphore, #tpu.memory_space<semaphore_mem>>
        %dma_start3A_135 = arith.constant 0 : i32
        %dma_start3A_136 = arith.constant 0 : i32
        %dma_start3A_137 = tpu.memref_slice %arg9[%run_scoped3A_90, %dma_start3A_135, %dma_start3A_136] : memref<4x128x16xf32, #tpu.memory_space<vmem>> -> memref<1x128x16xf32, #tpu.memory_space<vmem>>
        %dma_start3A_138 = tpu.memref_squeeze %dma_start3A_137 : memref<1x128x16xf32, #tpu.memory_space<vmem>> -> memref<128x16xf32, #tpu.memory_space<vmem>>
        %dma_start3A_139 = arith.constant 0 : i32
        %dma_start3A_140 = tpu.memref_slice %arg8[%add3A_78, %dma_start3A_139] : memref<80x128xi32, #tpu.memory_space<vmem>> -> memref<1x128xi32, #tpu.memory_space<vmem>>
        %dma_start3A_141 = tpu.memref_squeeze %dma_start3A_140 : memref<1x128xi32, #tpu.memory_space<vmem>> -> memref<128xi32, #tpu.memory_space<vmem>>
        %dma_start3A_142 = arith.constant 0 : i32
        %dma_start3A_143 = arith.constant 0 : i32
        %dma_start3A_144 = tpu.memref_slice %arg10[%dma_start3A_142, %dma_start3A_143] : memref<10240x16xf32, #tpu.memory_space<vmem_shared>> -> memref<10240x16xf32, #tpu.memory_space<vmem_shared>>
        tpu.enqueue_indirect_dma source(%dma_start3A_138 : memref<128x16xf32, #tpu.memory_space<vmem>>) target(%dma_start3A_144 : memref<10240x16xf32, #tpu.memory_space<vmem_shared>>) offsets(%dma_start3A_141 : memref<128xi32, #tpu.memory_space<vmem>>) semaphore(%run_scoped3A_134 : memref<!tpu.dma_semaphore, #tpu.memory_space<semaphore_mem>>) {add = true}
        %dma_wait3A_145 = arith.constant 0 : i32
        %dma_wait3A_146 = arith.constant 0 : i32
        %dma_wait3A_147 = tpu.memref_slice %arg9[%run_scoped3A_90, %dma_wait3A_145, %dma_wait3A_146] : memref<4x128x16xf32, #tpu.memory_space<vmem>> -> memref<1x128x16xf32, #tpu.memory_space<vmem>>
        %dma_wait3A_148 = tpu.memref_squeeze %dma_wait3A_147 : memref<1x128x16xf32, #tpu.memory_space<vmem>> -> memref<128x16xf32, #tpu.memory_space<vmem>>
        %dma_wait3A_149 = arith.constant 0 : i32
        %dma_wait3A_150 = tpu.memref_slice %arg8[%add3A_78, %dma_wait3A_149] : memref<80x128xi32, #tpu.memory_space<vmem>> -> memref<1x128xi32, #tpu.memory_space<vmem>>
        %dma_wait3A_151 = tpu.memref_squeeze %dma_wait3A_150 : memref<1x128xi32, #tpu.memory_space<vmem>> -> memref<128xi32, #tpu.memory_space<vmem>>
        %dma_wait3A_152 = arith.constant 0 : i32
        %dma_wait3A_153 = arith.constant 0 : i32
        %dma_wait3A_154 = tpu.memref_slice %arg10[%dma_wait3A_152, %dma_wait3A_153] : memref<10240x16xf32, #tpu.memory_space<vmem_shared>> -> memref<10240x16xf32, #tpu.memory_space<vmem_shared>>
        tpu.wait_indirect_dma semaphore(%run_scoped3A_134 : memref<!tpu.dma_semaphore, #tpu.memory_space<semaphore_mem>>) src(%dma_wait3A_148 : memref<128x16xf32, #tpu.memory_space<vmem>>) dst(%dma_wait3A_154 : memref<10240x16xf32, #tpu.memory_space<vmem_shared>>)
        tpu.yield
      }) : () -> ()
      %lt3A_91 = arith.constant 19 : i32
      %lt3A_92 = arith.cmpi slt, %scan3A_60, %lt3A_91 : i32
      %convert_element_type3A_93 = arith.extui %lt3A_92 : i1 to i32
      %cond3A_94 = arith.constant 0 : i32
      %cond3A_95 = arith.cmpi ne, %convert_element_type3A_93, %cond3A_94 : i32
      scf.if %cond3A_95 {
        %add3A_134 = arith.constant 4 : i32
        %add3A_135 = arith.addi %add3A_78, %add3A_134 : i32
        %dma_start3A_136 = arith.constant 1 : i32
        %dma_start3A_137 = arith.constant 0 : i32
        %dma_start3A_138 = arith.constant 0 : i32
        %dma_start3A_139 = tpu.memref_slice %arg9[%dma_start3A_136, %dma_start3A_137, %dma_start3A_138] : memref<4x128x16xf32, #tpu.memory_space<vmem>> -> memref<1x128x16xf32, #tpu.memory_space<vmem>>
        %dma_start3A_140 = tpu.memref_squeeze %dma_start3A_139 : memref<1x128x16xf32, #tpu.memory_space<vmem>> -> memref<128x16xf32, #tpu.memory_space<vmem>>
        %dma_start3A_141 = arith.constant 0 : i32
        %dma_start3A_142 = tpu.memref_slice %arg7[%add3A_135, %dma_start3A_141] : memref<80x128xi32, #tpu.memory_space<vmem>> -> memref<1x128xi32, #tpu.memory_space<vmem>>
        %dma_start3A_143 = tpu.memref_squeeze %dma_start3A_142 : memref<1x128xi32, #tpu.memory_space<vmem>> -> memref<128xi32, #tpu.memory_space<vmem>>
        %dma_start3A_144 = arith.constant 0 : i32
        %dma_start3A_145 = arith.constant 0 : i32
        %dma_start3A_146 = tpu.memref_slice %arg4[%dma_start3A_144, %dma_start3A_145] : memref<10240x16xf32, #tpu.memory_space<hbm>> -> memref<10240x16xf32, #tpu.memory_space<hbm>>
        tpu.enqueue_indirect_dma source(%dma_start3A_146 : memref<10240x16xf32, #tpu.memory_space<hbm>>) target(%dma_start3A_140 : memref<128x16xf32, #tpu.memory_space<vmem>>) offsets(%dma_start3A_143 : memref<128xi32, #tpu.memory_space<vmem>>) semaphore(%arg12 : memref<!tpu.dma_semaphore, #tpu.memory_space<semaphore_mem>>)
      } else {
      }
      %add3A_96 = arith.constant 2 : i32
      %add3A_97 = arith.addi %mul3A_62, %add3A_96 : i32
      %dma_wait3A_98 = arith.constant 2 : i32
      %dma_wait3A_99 = arith.constant 0 : i32
      %dma_wait3A_100 = arith.constant 0 : i32
      %dma_wait3A_101 = tpu.memref_slice %arg9[%dma_wait3A_98, %dma_wait3A_99, %dma_wait3A_100] : memref<4x128x16xf32, #tpu.memory_space<vmem>> -> memref<1x128x16xf32, #tpu.memory_space<vmem>>
      %dma_wait3A_102 = tpu.memref_squeeze %dma_wait3A_101 : memref<1x128x16xf32, #tpu.memory_space<vmem>> -> memref<128x16xf32, #tpu.memory_space<vmem>>
      %dma_wait3A_103 = arith.constant 0 : i32
      %dma_wait3A_104 = tpu.memref_slice %arg7[%add3A_97, %dma_wait3A_103] : memref<80x128xi32, #tpu.memory_space<vmem>> -> memref<1x128xi32, #tpu.memory_space<vmem>>
      %dma_wait3A_105 = tpu.memref_squeeze %dma_wait3A_104 : memref<1x128xi32, #tpu.memory_space<vmem>> -> memref<128xi32, #tpu.memory_space<vmem>>
      %dma_wait3A_106 = arith.constant 0 : i32
      %dma_wait3A_107 = arith.constant 0 : i32
      %dma_wait3A_108 = tpu.memref_slice %arg4[%dma_wait3A_106, %dma_wait3A_107] : memref<10240x16xf32, #tpu.memory_space<hbm>> -> memref<10240x16xf32, #tpu.memory_space<hbm>>
      tpu.wait_indirect_dma semaphore(%arg13 : memref<!tpu.dma_semaphore, #tpu.memory_space<semaphore_mem>>) src(%dma_wait3A_108 : memref<10240x16xf32, #tpu.memory_space<hbm>>) dst(%dma_wait3A_102 : memref<128x16xf32, #tpu.memory_space<vmem>>)
      %run_scoped3A_109 = arith.constant 2 : i32
      "tpu.region"() ({
        %run_scoped3A_134 = tpu.sem_alloc : memref<!tpu.dma_semaphore, #tpu.memory_space<semaphore_mem>>
        %dma_start3A_135 = arith.constant 0 : i32
        %dma_start3A_136 = arith.constant 0 : i32
        %dma_start3A_137 = tpu.memref_slice %arg9[%run_scoped3A_109, %dma_start3A_135, %dma_start3A_136] : memref<4x128x16xf32, #tpu.memory_space<vmem>> -> memref<1x128x16xf32, #tpu.memory_space<vmem>>
        %dma_start3A_138 = tpu.memref_squeeze %dma_start3A_137 : memref<1x128x16xf32, #tpu.memory_space<vmem>> -> memref<128x16xf32, #tpu.memory_space<vmem>>
        %dma_start3A_139 = arith.constant 0 : i32
        %dma_start3A_140 = tpu.memref_slice %arg8[%add3A_97, %dma_start3A_139] : memref<80x128xi32, #tpu.memory_space<vmem>> -> memref<1x128xi32, #tpu.memory_space<vmem>>
        %dma_start3A_141 = tpu.memref_squeeze %dma_start3A_140 : memref<1x128xi32, #tpu.memory_space<vmem>> -> memref<128xi32, #tpu.memory_space<vmem>>
        %dma_start3A_142 = arith.constant 0 : i32
        %dma_start3A_143 = arith.constant 0 : i32
        %dma_start3A_144 = tpu.memref_slice %arg10[%dma_start3A_142, %dma_start3A_143] : memref<10240x16xf32, #tpu.memory_space<vmem_shared>> -> memref<10240x16xf32, #tpu.memory_space<vmem_shared>>
        tpu.enqueue_indirect_dma source(%dma_start3A_138 : memref<128x16xf32, #tpu.memory_space<vmem>>) target(%dma_start3A_144 : memref<10240x16xf32, #tpu.memory_space<vmem_shared>>) offsets(%dma_start3A_141 : memref<128xi32, #tpu.memory_space<vmem>>) semaphore(%run_scoped3A_134 : memref<!tpu.dma_semaphore, #tpu.memory_space<semaphore_mem>>) {add = true}
        %dma_wait3A_145 = arith.constant 0 : i32
        %dma_wait3A_146 = arith.constant 0 : i32
        %dma_wait3A_147 = tpu.memref_slice %arg9[%run_scoped3A_109, %dma_wait3A_145, %dma_wait3A_146] : memref<4x128x16xf32, #tpu.memory_space<vmem>> -> memref<1x128x16xf32, #tpu.memory_space<vmem>>
        %dma_wait3A_148 = tpu.memref_squeeze %dma_wait3A_147 : memref<1x128x16xf32, #tpu.memory_space<vmem>> -> memref<128x16xf32, #tpu.memory_space<vmem>>
        %dma_wait3A_149 = arith.constant 0 : i32
        %dma_wait3A_150 = tpu.memref_slice %arg8[%add3A_97, %dma_wait3A_149] : memref<80x128xi32, #tpu.memory_space<vmem>> -> memref<1x128xi32, #tpu.memory_space<vmem>>
        %dma_wait3A_151 = tpu.memref_squeeze %dma_wait3A_150 : memref<1x128xi32, #tpu.memory_space<vmem>> -> memref<128xi32, #tpu.memory_space<vmem>>
        %dma_wait3A_152 = arith.constant 0 : i32
        %dma_wait3A_153 = arith.constant 0 : i32
        %dma_wait3A_154 = tpu.memref_slice %arg10[%dma_wait3A_152, %dma_wait3A_153] : memref<10240x16xf32, #tpu.memory_space<vmem_shared>> -> memref<10240x16xf32, #tpu.memory_space<vmem_shared>>
        tpu.wait_indirect_dma semaphore(%run_scoped3A_134 : memref<!tpu.dma_semaphore, #tpu.memory_space<semaphore_mem>>) src(%dma_wait3A_148 : memref<128x16xf32, #tpu.memory_space<vmem>>) dst(%dma_wait3A_154 : memref<10240x16xf32, #tpu.memory_space<vmem_shared>>)
        tpu.yield
      }) : () -> ()
      %lt3A_110 = arith.constant 19 : i32
      %lt3A_111 = arith.cmpi slt, %scan3A_60, %lt3A_110 : i32
      %convert_element_type3A_112 = arith.extui %lt3A_111 : i1 to i32
      %cond3A_113 = arith.constant 0 : i32
      %cond3A_114 = arith.cmpi ne, %convert_element_type3A_112, %cond3A_113 : i32
      scf.if %cond3A_114 {
        %add3A_134 = arith.constant 4 : i32
        %add3A_135 = arith.addi %add3A_97, %add3A_134 : i32
        %dma_start3A_136 = arith.constant 2 : i32
        %dma_start3A_137 = arith.constant 0 : i32
        %dma_start3A_138 = arith.constant 0 : i32
        %dma_start3A_139 = tpu.memref_slice %arg9[%dma_start3A_136, %dma_start3A_137, %dma_start3A_138] : memref<4x128x16xf32, #tpu.memory_space<vmem>> -> memref<1x128x16xf32, #tpu.memory_space<vmem>>
        %dma_start3A_140 = tpu.memref_squeeze %dma_start3A_139 : memref<1x128x16xf32, #tpu.memory_space<vmem>> -> memref<128x16xf32, #tpu.memory_space<vmem>>
        %dma_start3A_141 = arith.constant 0 : i32
        %dma_start3A_142 = tpu.memref_slice %arg7[%add3A_135, %dma_start3A_141] : memref<80x128xi32, #tpu.memory_space<vmem>> -> memref<1x128xi32, #tpu.memory_space<vmem>>
        %dma_start3A_143 = tpu.memref_squeeze %dma_start3A_142 : memref<1x128xi32, #tpu.memory_space<vmem>> -> memref<128xi32, #tpu.memory_space<vmem>>
        %dma_start3A_144 = arith.constant 0 : i32
        %dma_start3A_145 = arith.constant 0 : i32
        %dma_start3A_146 = tpu.memref_slice %arg4[%dma_start3A_144, %dma_start3A_145] : memref<10240x16xf32, #tpu.memory_space<hbm>> -> memref<10240x16xf32, #tpu.memory_space<hbm>>
        tpu.enqueue_indirect_dma source(%dma_start3A_146 : memref<10240x16xf32, #tpu.memory_space<hbm>>) target(%dma_start3A_140 : memref<128x16xf32, #tpu.memory_space<vmem>>) offsets(%dma_start3A_143 : memref<128xi32, #tpu.memory_space<vmem>>) semaphore(%arg13 : memref<!tpu.dma_semaphore, #tpu.memory_space<semaphore_mem>>)
      } else {
      }
      %add3A_115 = arith.constant 3 : i32
      %add3A_116 = arith.addi %mul3A_62, %add3A_115 : i32
      %dma_wait3A_117 = arith.constant 3 : i32
      %dma_wait3A_118 = arith.constant 0 : i32
      %dma_wait3A_119 = arith.constant 0 : i32
      %dma_wait3A_120 = tpu.memref_slice %arg9[%dma_wait3A_117, %dma_wait3A_118, %dma_wait3A_119] : memref<4x128x16xf32, #tpu.memory_space<vmem>> -> memref<1x128x16xf32, #tpu.memory_space<vmem>>
      %dma_wait3A_121 = tpu.memref_squeeze %dma_wait3A_120 : memref<1x128x16xf32, #tpu.memory_space<vmem>> -> memref<128x16xf32, #tpu.memory_space<vmem>>
      %dma_wait3A_122 = arith.constant 0 : i32
      %dma_wait3A_123 = tpu.memref_slice %arg7[%add3A_116, %dma_wait3A_122] : memref<80x128xi32, #tpu.memory_space<vmem>> -> memref<1x128xi32, #tpu.memory_space<vmem>>
      %dma_wait3A_124 = tpu.memref_squeeze %dma_wait3A_123 : memref<1x128xi32, #tpu.memory_space<vmem>> -> memref<128xi32, #tpu.memory_space<vmem>>
      %dma_wait3A_125 = arith.constant 0 : i32
      %dma_wait3A_126 = arith.constant 0 : i32
      %dma_wait3A_127 = tpu.memref_slice %arg4[%dma_wait3A_125, %dma_wait3A_126] : memref<10240x16xf32, #tpu.memory_space<hbm>> -> memref<10240x16xf32, #tpu.memory_space<hbm>>
      tpu.wait_indirect_dma semaphore(%arg14 : memref<!tpu.dma_semaphore, #tpu.memory_space<semaphore_mem>>) src(%dma_wait3A_127 : memref<10240x16xf32, #tpu.memory_space<hbm>>) dst(%dma_wait3A_121 : memref<128x16xf32, #tpu.memory_space<vmem>>)
      %run_scoped3A_128 = arith.constant 3 : i32
      "tpu.region"() ({
        %run_scoped3A_134 = tpu.sem_alloc : memref<!tpu.dma_semaphore, #tpu.memory_space<semaphore_mem>>
        %dma_start3A_135 = arith.constant 0 : i32
        %dma_start3A_136 = arith.constant 0 : i32
        %dma_start3A_137 = tpu.memref_slice %arg9[%run_scoped3A_128, %dma_start3A_135, %dma_start3A_136] : memref<4x128x16xf32, #tpu.memory_space<vmem>> -> memref<1x128x16xf32, #tpu.memory_space<vmem>>
        %dma_start3A_138 = tpu.memref_squeeze %dma_start3A_137 : memref<1x128x16xf32, #tpu.memory_space<vmem>> -> memref<128x16xf32, #tpu.memory_space<vmem>>
        %dma_start3A_139 = arith.constant 0 : i32
        %dma_start3A_140 = tpu.memref_slice %arg8[%add3A_116, %dma_start3A_139] : memref<80x128xi32, #tpu.memory_space<vmem>> -> memref<1x128xi32, #tpu.memory_space<vmem>>
        %dma_start3A_141 = tpu.memref_squeeze %dma_start3A_140 : memref<1x128xi32, #tpu.memory_space<vmem>> -> memref<128xi32, #tpu.memory_space<vmem>>
        %dma_start3A_142 = arith.constant 0 : i32
        %dma_start3A_143 = arith.constant 0 : i32
        %dma_start3A_144 = tpu.memref_slice %arg10[%dma_start3A_142, %dma_start3A_143] : memref<10240x16xf32, #tpu.memory_space<vmem_shared>> -> memref<10240x16xf32, #tpu.memory_space<vmem_shared>>
        tpu.enqueue_indirect_dma source(%dma_start3A_138 : memref<128x16xf32, #tpu.memory_space<vmem>>) target(%dma_start3A_144 : memref<10240x16xf32, #tpu.memory_space<vmem_shared>>) offsets(%dma_start3A_141 : memref<128xi32, #tpu.memory_space<vmem>>) semaphore(%run_scoped3A_134 : memref<!tpu.dma_semaphore, #tpu.memory_space<semaphore_mem>>) {add = true}
        %dma_wait3A_145 = arith.constant 0 : i32
        %dma_wait3A_146 = arith.constant 0 : i32
        %dma_wait3A_147 = tpu.memref_slice %arg9[%run_scoped3A_128, %dma_wait3A_145, %dma_wait3A_146] : memref<4x128x16xf32, #tpu.memory_space<vmem>> -> memref<1x128x16xf32, #tpu.memory_space<vmem>>
        %dma_wait3A_148 = tpu.memref_squeeze %dma_wait3A_147 : memref<1x128x16xf32, #tpu.memory_space<vmem>> -> memref<128x16xf32, #tpu.memory_space<vmem>>
        %dma_wait3A_149 = arith.constant 0 : i32
        %dma_wait3A_150 = tpu.memref_slice %arg8[%add3A_116, %dma_wait3A_149] : memref<80x128xi32, #tpu.memory_space<vmem>> -> memref<1x128xi32, #tpu.memory_space<vmem>>
        %dma_wait3A_151 = tpu.memref_squeeze %dma_wait3A_150 : memref<1x128xi32, #tpu.memory_space<vmem>> -> memref<128xi32, #tpu.memory_space<vmem>>
        %dma_wait3A_152 = arith.constant 0 : i32
        %dma_wait3A_153 = arith.constant 0 : i32
        %dma_wait3A_154 = tpu.memref_slice %arg10[%dma_wait3A_152, %dma_wait3A_153] : memref<10240x16xf32, #tpu.memory_space<vmem_shared>> -> memref<10240x16xf32, #tpu.memory_space<vmem_shared>>
        tpu.wait_indirect_dma semaphore(%run_scoped3A_134 : memref<!tpu.dma_semaphore, #tpu.memory_space<semaphore_mem>>) src(%dma_wait3A_148 : memref<128x16xf32, #tpu.memory_space<vmem>>) dst(%dma_wait3A_154 : memref<10240x16xf32, #tpu.memory_space<vmem_shared>>)
        tpu.yield
      }) : () -> ()
      %lt3A_129 = arith.constant 19 : i32
      %lt3A_130 = arith.cmpi slt, %scan3A_60, %lt3A_129 : i32
      %convert_element_type3A_131 = arith.extui %lt3A_130 : i1 to i32
      %cond3A_132 = arith.constant 0 : i32
      %cond3A_133 = arith.cmpi ne, %convert_element_type3A_131, %cond3A_132 : i32
      scf.if %cond3A_133 {
        %add3A_134 = arith.constant 4 : i32
        %add3A_135 = arith.addi %add3A_116, %add3A_134 : i32
        %dma_start3A_136 = arith.constant 3 : i32
        %dma_start3A_137 = arith.constant 0 : i32
        %dma_start3A_138 = arith.constant 0 : i32
        %dma_start3A_139 = tpu.memref_slice %arg9[%dma_start3A_136, %dma_start3A_137, %dma_start3A_138] : memref<4x128x16xf32, #tpu.memory_space<vmem>> -> memref<1x128x16xf32, #tpu.memory_space<vmem>>
        %dma_start3A_140 = tpu.memref_squeeze %dma_start3A_139 : memref<1x128x16xf32, #tpu.memory_space<vmem>> -> memref<128x16xf32, #tpu.memory_space<vmem>>
        %dma_start3A_141 = arith.constant 0 : i32
        %dma_start3A_142 = tpu.memref_slice %arg7[%add3A_135, %dma_start3A_141] : memref<80x128xi32, #tpu.memory_space<vmem>> -> memref<1x128xi32, #tpu.memory_space<vmem>>
        %dma_start3A_143 = tpu.memref_squeeze %dma_start3A_142 : memref<1x128xi32, #tpu.memory_space<vmem>> -> memref<128xi32, #tpu.memory_space<vmem>>
        %dma_start3A_144 = arith.constant 0 : i32
        %dma_start3A_145 = arith.constant 0 : i32
        %dma_start3A_146 = tpu.memref_slice %arg4[%dma_start3A_144, %dma_start3A_145] : memref<10240x16xf32, #tpu.memory_space<hbm>> -> memref<10240x16xf32, #tpu.memory_space<hbm>>
        tpu.enqueue_indirect_dma source(%dma_start3A_146 : memref<10240x16xf32, #tpu.memory_space<hbm>>) target(%dma_start3A_140 : memref<128x16xf32, #tpu.memory_space<vmem>>) offsets(%dma_start3A_143 : memref<128xi32, #tpu.memory_space<vmem>>) semaphore(%arg14 : memref<!tpu.dma_semaphore, #tpu.memory_space<semaphore_mem>>)
      } else {
      }
    }
    %scan3A_54 = arith.constant 20 : i32
    %barrier3A_55 = arith.constant 0 : index
    tpu.barrier barrier_id(%barrier3A_55)
    %mul3A_56 = arith.constant 640 : i32
    %mul3A_57 = arith.muli %arg1, %mul3A_56 : i32
    %mul3A_58 = arith.constant 640 : i32
    %mul3A_59 = arith.muli %arg1, %mul3A_58 : i32
    "tpu.region"() ({
      %run_scoped3A = tpu.sem_alloc : memref<!tpu.dma_semaphore, #tpu.memory_space<semaphore_mem>>
      %dma_start3A_60 = arith.constant 0 : i32
      %dma_start3A_61 = tpu.memref_slice %arg6[%arg0, %mul3A_59, %dma_start3A_60] : memref<2x10240x16xf32, #tpu.memory_space<hbm>> -> memref<1x640x16xf32, #tpu.memory_space<hbm>>
      %dma_start3A_62 = tpu.memref_squeeze %dma_start3A_61 : memref<1x640x16xf32, #tpu.memory_space<hbm>> -> memref<640x16xf32, #tpu.memory_space<hbm>>
      %dma_start3A_63 = arith.constant 0 : i32
      %dma_start3A_64 = tpu.memref_slice %arg10[%mul3A_57, %dma_start3A_63] : memref<10240x16xf32, #tpu.memory_space<vmem_shared>> -> memref<640x16xf32, #tpu.memory_space<vmem_shared>>
      tpu.enqueue_dma source(%dma_start3A_64 : memref<640x16xf32, #tpu.memory_space<vmem_shared>>) target(%dma_start3A_62 : memref<640x16xf32, #tpu.memory_space<hbm>>) target_semaphore(%run_scoped3A : memref<!tpu.dma_semaphore, #tpu.memory_space<semaphore_mem>>)
      %dma_wait3A = arith.constant 0 : i32
      %dma_wait3A_65 = tpu.memref_slice %arg6[%arg0, %mul3A_59, %dma_wait3A] : memref<2x10240x16xf32, #tpu.memory_space<hbm>> -> memref<1x640x16xf32, #tpu.memory_space<hbm>>
      %dma_wait3A_66 = tpu.memref_squeeze %dma_wait3A_65 : memref<1x640x16xf32, #tpu.memory_space<hbm>> -> memref<640x16xf32, #tpu.memory_space<hbm>>
      %dma_wait3A_67 = arith.constant 0 : i32
      %dma_wait3A_68 = tpu.memref_slice %arg10[%mul3A_57, %dma_wait3A_67] : memref<10240x16xf32, #tpu.memory_space<vmem_shared>> -> memref<640x16xf32, #tpu.memory_space<vmem_shared>>
      tpu.wait_dma2 semaphore(%run_scoped3A : memref<!tpu.dma_semaphore, #tpu.memory_space<semaphore_mem>>) src(%dma_wait3A_68 : memref<640x16xf32, #tpu.memory_space<vmem_shared>>) dst(%dma_wait3A_66 : memref<640x16xf32, #tpu.memory_space<hbm>>)
      tpu.yield
    }) : () -> ()
    return
  }
}

module attributes {stable_mosaic.version = 14 : i64} {
  func.func @_tc1_body(%arg0: i32, %arg1: memref<1024x128xf32, #tpu.memory_space<vmem>>, %arg2: memref<16x128xf32, #tpu.memory_space<vmem>>, %arg3: memref<2x1024x16xf32, #tpu.memory_space<vmem>>, %arg4: memref<1024x16xf32, #tpu.memory_space<vmem>>, %arg5: memref<1024x16xf32, #tpu.memory_space<vmem>>) attributes {dimension_semantics = [#tpu.dimension_semantics<arbitrary>], iteration_bounds = array<i64: 10>, scalar_prefetch = 0 : i64, scratch_operands = 0 : i64, tpu.core_type = #tpu.core_type<tc>, window_params = [{transform_indices = @transform_0, window_bounds = array<i64: 1024, 128>}, {pipeline_mode = #tpu.pipeline_mode<synchronous>, transform_indices = @transform_1, window_bounds = array<i64: 16, 128>}, {transform_indices = @transform_2, window_bounds = array<i64: 2, 1024, 16>}, {transform_indices = @transform_3, window_bounds = array<i64: 1024, 16>}, {transform_indices = @transform_4, window_bounds = array<i64: 1024, 16>}]} {
    %get3A = arith.constant 0 : index
    %get3A_0 = arith.constant 0 : index
    %get3A_1 = arith.constant 0 : index
    %get3A_2 = vector.load %arg3[%get3A, %get3A_0, %get3A_1] : memref<2x1024x16xf32, #tpu.memory_space<vmem>>, vector<1x1024x16xf32>
    %get3A_3 = vector.shape_cast %get3A_2 : vector<1x1024x16xf32> to vector<1024x16xf32>
    %get3A_4 = arith.constant 1 : index
    %get3A_5 = arith.constant 0 : index
    %get3A_6 = arith.constant 0 : index
    %get3A_7 = vector.load %arg3[%get3A_4, %get3A_5, %get3A_6] : memref<2x1024x16xf32, #tpu.memory_space<vmem>>, vector<1x1024x16xf32>
    %get3A_8 = vector.shape_cast %get3A_7 : vector<1x1024x16xf32> to vector<1024x16xf32>
    %add3A = arith.addf %get3A_3, %get3A_8 : vector<1024x16xf32>
    %add3A_9 = arith.constant 1.000000e+00 : f32
    %add3A_10 = vector.broadcast %add3A_9 : f32 to vector<1024x16xf32>
    %add3A_11 = arith.addf %add3A, %add3A_10 : vector<1024x16xf32>
    %sqrt3A = math.sqrt %add3A_11 : vector<1024x16xf32>
    %div3A = arith.constant 1.000000e+00 : f32
    %div3A_12 = vector.broadcast %div3A : f32 to vector<1024x16xf32>
    %div3A_13 = arith.divf %div3A_12, %sqrt3A : vector<1024x16xf32>
    %get3A_14 = arith.constant 0 : index
    %get3A_15 = arith.constant 0 : index
    %get3A_16 = vector.load %arg1[%get3A_14, %get3A_15] : memref<1024x128xf32, #tpu.memory_space<vmem>>, vector<1024x128xf32>
    %convert_element_type3A = arith.truncf %get3A_16 : vector<1024x128xf32> to vector<1024x128xbf16>
    %get3A_17 = arith.constant 0 : index
    %get3A_18 = arith.constant 0 : index
    %get3A_19 = vector.load %arg2[%get3A_17, %get3A_18] : memref<16x128xf32, #tpu.memory_space<vmem>>, vector<16x128xf32>
    %convert_element_type3A_20 = arith.truncf %get3A_19 : vector<16x128xf32> to vector<16x128xbf16>
    %dot_general3A = arith.constant dense<0.000000e+00> : vector<1024x16xf32>
    %dot_general3A_21 = tpu.matmul %convert_element_type3A, %convert_element_type3A_20, %dot_general3A {dimension_numbers = #tpu.dot_dimension_numbers<[1], [1], [0], [0], [0, 0, 1, 0], [], []>, transpose_lhs_hint = false} : vector<1024x128xbf16>, vector<16x128xbf16>, vector<1024x16xf32> -> vector<1024x16xf32>
    %swap3A = arith.constant 0 : index
    %swap3A_22 = arith.constant 0 : index
    %swap3A_23 = vector.load %arg4[%swap3A, %swap3A_22] : memref<1024x16xf32, #tpu.memory_space<vmem>>, vector<1024x16xf32>
    tpu.vector_store %arg4[%swap3A, %swap3A_22], %div3A_13 {strides = array<i32>} : memref<1024x16xf32, #tpu.memory_space<vmem>>, vector<1024x16xf32>,
    %mul3A = arith.mulf %dot_general3A_21, %div3A_13 : vector<1024x16xf32>
    %swap3A_24 = arith.constant 0 : index
    %swap3A_25 = arith.constant 0 : index
    %swap3A_26 = vector.load %arg5[%swap3A_24, %swap3A_25] : memref<1024x16xf32, #tpu.memory_space<vmem>>, vector<1024x16xf32>
    tpu.vector_store %arg5[%swap3A_24, %swap3A_25], %mul3A {strides = array<i32>} : memref<1024x16xf32, #tpu.memory_space<vmem>>, vector<1024x16xf32>,
    return
  }
  func.func @transform_0(%arg0: i32) -> (i32, i32) {
    %c0_i32 = arith.constant 0 : i32
    %c0_i32_0 = arith.constant 0 : i32
    return %arg0, %c0_i32 : i32, i32
  }
  func.func @transform_1(%arg0: i32) -> (i32, i32) {
    %c0_i32 = arith.constant 0 : i32
    %c0_i32_0 = arith.constant 0 : i32
    %c0_i32_1 = arith.constant 0 : i32
    return %c0_i32, %c0_i32_0 : i32, i32
  }
  func.func @transform_2(%arg0: i32) -> (i32, i32, i32) {
    %c0_i32 = arith.constant 0 : i32
    %c0_i32_0 = arith.constant 0 : i32
    %c0_i32_1 = arith.constant 0 : i32
    return %c0_i32, %arg0, %c0_i32_0 : i32, i32, i32
  }
  func.func @transform_3(%arg0: i32) -> (i32, i32) {
    %c0_i32 = arith.constant 0 : i32
    %c0_i32_0 = arith.constant 0 : i32
    return %arg0, %c0_i32 : i32, i32
  }
  func.func @transform_4(%arg0: i32) -> (i32, i32) {
    %c0_i32 = arith.constant 0 : i32
    %c0_i32_0 = arith.constant 0 : i32
    return %arg0, %c0_i32 : i32, i32
  }
}

module attributes {stable_mosaic.version = 14 : i64} {
  func.func @_tc2_body(%arg0: i32, %arg1: memref<2x1024x16xf32, #tpu.memory_space<vmem>>, %arg2: memref<1024x16xf32, #tpu.memory_space<vmem>>, %arg3: memref<1024x16xf32, #tpu.memory_space<vmem>>, %arg4: memref<16x16xf32, #tpu.memory_space<vmem>>, %arg5: memref<1x16xf32, #tpu.memory_space<vmem>>, %arg6: memref<1024x16xf32, #tpu.memory_space<vmem>>) attributes {dimension_semantics = [#tpu.dimension_semantics<arbitrary>], iteration_bounds = array<i64: 10>, scalar_prefetch = 0 : i64, scratch_operands = 0 : i64, tpu.core_type = #tpu.core_type<tc>, window_params = [{transform_indices = @transform_0, window_bounds = array<i64: 2, 1024, 16>}, {transform_indices = @transform_1, window_bounds = array<i64: 1024, 16>}, {transform_indices = @transform_2, window_bounds = array<i64: 1024, 16>}, {pipeline_mode = #tpu.pipeline_mode<synchronous>, transform_indices = @transform_3, window_bounds = array<i64: 16, 16>}, {pipeline_mode = #tpu.pipeline_mode<synchronous>, transform_indices = @transform_4, window_bounds = array<i64: 1, 16>}, {transform_indices = @transform_5, window_bounds = array<i64: 1024, 16>}]} {
    %get3A = arith.constant 0 : index
    %get3A_0 = arith.constant 0 : index
    %get3A_1 = arith.constant 0 : index
    %get3A_2 = vector.load %arg1[%get3A, %get3A_0, %get3A_1] : memref<2x1024x16xf32, #tpu.memory_space<vmem>>, vector<1x1024x16xf32>
    %get3A_3 = vector.shape_cast %get3A_2 : vector<1x1024x16xf32> to vector<1024x16xf32>
    %get3A_4 = arith.constant 1 : index
    %get3A_5 = arith.constant 0 : index
    %get3A_6 = arith.constant 0 : index
    %get3A_7 = vector.load %arg1[%get3A_4, %get3A_5, %get3A_6] : memref<2x1024x16xf32, #tpu.memory_space<vmem>>, vector<1x1024x16xf32>
    %get3A_8 = vector.shape_cast %get3A_7 : vector<1x1024x16xf32> to vector<1024x16xf32>
    %add3A = arith.addf %get3A_3, %get3A_8 : vector<1024x16xf32>
    %get3A_9 = arith.constant 0 : index
    %get3A_10 = arith.constant 0 : index
    %get3A_11 = vector.load %arg2[%get3A_9, %get3A_10] : memref<1024x16xf32, #tpu.memory_space<vmem>>, vector<1024x16xf32>
    %add3A_12 = arith.addf %add3A, %get3A_11 : vector<1024x16xf32>
    %get3A_13 = arith.constant 0 : index
    %get3A_14 = arith.constant 0 : index
    %get3A_15 = vector.load %arg3[%get3A_13, %get3A_14] : memref<1024x16xf32, #tpu.memory_space<vmem>>, vector<1024x16xf32>
    %mul3A = arith.mulf %get3A_15, %add3A_12 : vector<1024x16xf32>
    %get3A_16 = arith.constant 0 : index
    %get3A_17 = arith.constant 0 : index
    %get3A_18 = vector.load %arg5[%get3A_16, %get3A_17] : memref<1x16xf32, #tpu.memory_space<vmem>>, vector<1x16xf32>
    %add3A_19 = vector.broadcast %get3A_18 : vector<1x16xf32> to vector<1024x16xf32>
    %add3A_20 = arith.addf %mul3A, %add3A_19 : vector<1024x16xf32>
    %max3A = arith.constant 0.000000e+00 : f32
    %max3A_21 = vector.broadcast %max3A : f32 to vector<1024x16xf32>
    %max3A_22 = arith.maximumf %add3A_20, %max3A_21 : vector<1024x16xf32>
    %convert_element_type3A = arith.truncf %max3A_22 : vector<1024x16xf32> to vector<1024x16xbf16>
    %get3A_23 = arith.constant 0 : index
    %get3A_24 = arith.constant 0 : index
    %get3A_25 = vector.load %arg4[%get3A_23, %get3A_24] : memref<16x16xf32, #tpu.memory_space<vmem>>, vector<16x16xf32>
    %convert_element_type3A_26 = arith.truncf %get3A_25 : vector<16x16xf32> to vector<16x16xbf16>
    %dot_general3A = arith.constant dense<0.000000e+00> : vector<1024x16xf32>
    %dot_general3A_27 = tpu.matmul %convert_element_type3A, %convert_element_type3A_26, %dot_general3A {dimension_numbers = #tpu.dot_dimension_numbers<[1], [1], [0], [0], [0, 0, 1, 0], [], []>, transpose_lhs_hint = false} : vector<1024x16xbf16>, vector<16x16xbf16>, vector<1024x16xf32> -> vector<1024x16xf32>
    %get3A_28 = arith.constant 0 : index
    %get3A_29 = arith.constant 0 : index
    %get3A_30 = vector.load %arg3[%get3A_28, %get3A_29] : memref<1024x16xf32, #tpu.memory_space<vmem>>, vector<1024x16xf32>
    %mul3A_31 = arith.mulf %dot_general3A_27, %get3A_30 : vector<1024x16xf32>
    %swap3A = arith.constant 0 : index
    %swap3A_32 = arith.constant 0 : index
    %swap3A_33 = vector.load %arg6[%swap3A, %swap3A_32] : memref<1024x16xf32, #tpu.memory_space<vmem>>, vector<1024x16xf32>
    tpu.vector_store %arg6[%swap3A, %swap3A_32], %mul3A_31 {strides = array<i32>} : memref<1024x16xf32, #tpu.memory_space<vmem>>, vector<1024x16xf32>,
    return
  }
  func.func @transform_0(%arg0: i32) -> (i32, i32, i32) {
    %c0_i32 = arith.constant 0 : i32
    %c0_i32_0 = arith.constant 0 : i32
    %c0_i32_1 = arith.constant 0 : i32
    return %c0_i32, %arg0, %c0_i32_0 : i32, i32, i32
  }
  func.func @transform_1(%arg0: i32) -> (i32, i32) {
    %c0_i32 = arith.constant 0 : i32
    %c0_i32_0 = arith.constant 0 : i32
    return %arg0, %c0_i32 : i32, i32
  }
  func.func @transform_2(%arg0: i32) -> (i32, i32) {
    %c0_i32 = arith.constant 0 : i32
    %c0_i32_0 = arith.constant 0 : i32
    return %arg0, %c0_i32 : i32, i32
  }
  func.func @transform_3(%arg0: i32) -> (i32, i32) {
    %c0_i32 = arith.constant 0 : i32
    %c0_i32_0 = arith.constant 0 : i32
    %c0_i32_1 = arith.constant 0 : i32
    return %c0_i32, %c0_i32_0 : i32, i32
  }
  func.func @transform_4(%arg0: i32) -> (i32, i32) {
    %c0_i32 = arith.constant 0 : i32
    %c0_i32_0 = arith.constant 0 : i32
    %c0_i32_1 = arith.constant 0 : i32
    return %c0_i32, %c0_i32_0 : i32, i32
  }
  func.func @transform_5(%arg0: i32) -> (i32, i32) {
    %c0_i32 = arith.constant 0 : i32
    %c0_i32_0 = arith.constant 0 : i32
    return %arg0, %c0_i32 : i32, i32
  }
}

module attributes {stable_mosaic.version = 14 : i64} {
  func.func @_tc3_body(%arg0: i32, %arg1: memref<2x1024x16xf32, #tpu.memory_space<vmem>>, %arg2: memref<1024x16xf32, #tpu.memory_space<vmem>>, %arg3: memref<1024x16xf32, #tpu.memory_space<vmem>>, %arg4: memref<1x16xf32, #tpu.memory_space<vmem>>, %arg5: memref<1024x16xf32, #tpu.memory_space<vmem>>) attributes {dimension_semantics = [#tpu.dimension_semantics<arbitrary>], iteration_bounds = array<i64: 10>, scalar_prefetch = 0 : i64, scratch_operands = 0 : i64, tpu.core_type = #tpu.core_type<tc>, window_params = [{transform_indices = @transform_0, window_bounds = array<i64: 2, 1024, 16>}, {transform_indices = @transform_1, window_bounds = array<i64: 1024, 16>}, {transform_indices = @transform_2, window_bounds = array<i64: 1024, 16>}, {pipeline_mode = #tpu.pipeline_mode<synchronous>, transform_indices = @transform_3, window_bounds = array<i64: 1, 16>}, {transform_indices = @transform_4, window_bounds = array<i64: 1024, 16>}]} {
    %get3A = arith.constant 0 : index
    %get3A_0 = arith.constant 0 : index
    %get3A_1 = arith.constant 0 : index
    %get3A_2 = vector.load %arg1[%get3A, %get3A_0, %get3A_1] : memref<2x1024x16xf32, #tpu.memory_space<vmem>>, vector<1x1024x16xf32>
    %get3A_3 = vector.shape_cast %get3A_2 : vector<1x1024x16xf32> to vector<1024x16xf32>
    %get3A_4 = arith.constant 1 : index
    %get3A_5 = arith.constant 0 : index
    %get3A_6 = arith.constant 0 : index
    %get3A_7 = vector.load %arg1[%get3A_4, %get3A_5, %get3A_6] : memref<2x1024x16xf32, #tpu.memory_space<vmem>>, vector<1x1024x16xf32>
    %get3A_8 = vector.shape_cast %get3A_7 : vector<1x1024x16xf32> to vector<1024x16xf32>
    %add3A = arith.addf %get3A_3, %get3A_8 : vector<1024x16xf32>
    %get3A_9 = arith.constant 0 : index
    %get3A_10 = arith.constant 0 : index
    %get3A_11 = vector.load %arg2[%get3A_9, %get3A_10] : memref<1024x16xf32, #tpu.memory_space<vmem>>, vector<1024x16xf32>
    %add3A_12 = arith.addf %add3A, %get3A_11 : vector<1024x16xf32>
    %get3A_13 = arith.constant 0 : index
    %get3A_14 = arith.constant 0 : index
    %get3A_15 = vector.load %arg3[%get3A_13, %get3A_14] : memref<1024x16xf32, #tpu.memory_space<vmem>>, vector<1024x16xf32>
    %mul3A = arith.mulf %get3A_15, %add3A_12 : vector<1024x16xf32>
    %get3A_16 = arith.constant 0 : index
    %get3A_17 = arith.constant 0 : index
    %get3A_18 = vector.load %arg4[%get3A_16, %get3A_17] : memref<1x16xf32, #tpu.memory_space<vmem>>, vector<1x16xf32>
    %add3A_19 = vector.broadcast %get3A_18 : vector<1x16xf32> to vector<1024x16xf32>
    %add3A_20 = arith.addf %mul3A, %add3A_19 : vector<1024x16xf32>
    %max3A = arith.constant 0.000000e+00 : f32
    %max3A_21 = vector.broadcast %max3A : f32 to vector<1024x16xf32>
    %max3A_22 = arith.maximumf %add3A_20, %max3A_21 : vector<1024x16xf32>
    %swap3A = arith.constant 0 : index
    %swap3A_23 = arith.constant 0 : index
    %swap3A_24 = vector.load %arg5[%swap3A, %swap3A_23] : memref<1024x16xf32, #tpu.memory_space<vmem>>, vector<1024x16xf32>
    tpu.vector_store %arg5[%swap3A, %swap3A_23], %max3A_22 {strides = array<i32>} : memref<1024x16xf32, #tpu.memory_space<vmem>>, vector<1024x16xf32>,
    return
  }
  func.func @transform_0(%arg0: i32) -> (i32, i32, i32) {
    %c0_i32 = arith.constant 0 : i32
    %c0_i32_0 = arith.constant 0 : i32
    %c0_i32_1 = arith.constant 0 : i32
    return %c0_i32, %arg0, %c0_i32_0 : i32, i32, i32
  }
  func.func @transform_1(%arg0: i32) -> (i32, i32) {
    %c0_i32 = arith.constant 0 : i32
    %c0_i32_0 = arith.constant 0 : i32
    return %arg0, %c0_i32 : i32, i32
  }
  func.func @transform_2(%arg0: i32) -> (i32, i32) {
    %c0_i32 = arith.constant 0 : i32
    %c0_i32_0 = arith.constant 0 : i32
    return %arg0, %c0_i32 : i32, i32
  }
  func.func @transform_3(%arg0: i32) -> (i32, i32) {
    %c0_i32 = arith.constant 0 : i32
    %c0_i32_0 = arith.constant 0 : i32
    %c0_i32_1 = arith.constant 0 : i32
    return %c0_i32, %c0_i32_0 : i32, i32
  }
  func.func @transform_4(%arg0: i32) -> (i32, i32) {
    %c0_i32 = arith.constant 0 : i32
    %c0_i32_0 = arith.constant 0 : i32
    return %arg0, %c0_i32 : i32, i32
  }
}

module attributes {stable_mosaic.version = 14 : i64} {
  func.func @_pool_body(%arg0: memref<1x10240xf32, #tpu.memory_space<vmem>>, %arg1: memref<1x10240xi32, #tpu.memory_space<vmem>>, %arg2: memref<10240x16xf32, #tpu.memory_space<vmem>>, %arg3: memref<40x16xf32, #tpu.memory_space<vmem>>, %arg4: memref<1x1xf32, #tpu.memory_space<vmem>>, %arg5: memref<64x1xf32, #tpu.memory_space<vmem>>, %arg6: memref<40x10240xf32, #tpu.memory_space<vmem>>) attributes {dimension_semantics = [], scalar_prefetch = 0 : i64, scratch_operands = 1 : i64, tpu.core_type = #tpu.core_type<tc>} {
    %get3A = arith.constant 0 : index
    %get3A_0 = arith.constant 0 : index
    %get3A_1 = vector.load %arg3[%get3A, %get3A_0] : memref<40x16xf32, #tpu.memory_space<vmem>>, vector<40x16xf32>
    %convert_element_type3A = arith.truncf %get3A_1 : vector<40x16xf32> to vector<40x16xbf16>
    %get3A_2 = arith.constant 0 : index
    %get3A_3 = arith.constant 0 : index
    %get3A_4 = vector.load %arg2[%get3A_2, %get3A_3] : memref<10240x16xf32, #tpu.memory_space<vmem>>, vector<10240x16xf32>
    %convert_element_type3A_5 = arith.truncf %get3A_4 : vector<10240x16xf32> to vector<10240x16xbf16>
    %dot_general3A = arith.constant dense<0.000000e+00> : vector<40x10240xf32>
    %dot_general3A_6 = tpu.matmul %convert_element_type3A, %convert_element_type3A_5, %dot_general3A {dimension_numbers = #tpu.dot_dimension_numbers<[1], [1], [0], [0], [0, 0, 1, 0], [], []>, transpose_lhs_hint = false} : vector<40x16xbf16>, vector<10240x16xbf16>, vector<40x10240xf32> -> vector<40x10240xf32>
    %swap3A = arith.constant 0 : index
    %swap3A_7 = arith.constant 0 : index
    %swap3A_8 = vector.load %arg6[%swap3A, %swap3A_7] : memref<40x10240xf32, #tpu.memory_space<vmem>>, vector<40x10240xf32>
    tpu.vector_store %arg6[%swap3A, %swap3A_7], %dot_general3A_6 {strides = array<i32>} : memref<40x10240xf32, #tpu.memory_space<vmem>>, vector<40x10240xf32>,
    %iota3A = tpu.iota {dimensions = array<i32: 0>} : vector<64x10240xi32>
    %iota3A_9 = tpu.iota {dimensions = array<i32: 1>} : vector<64x10240xi32>
    %get3A_10 = arith.constant 0 : index
    %get3A_11 = arith.constant 0 : index
    %get3A_12 = vector.load %arg1[%get3A_10, %get3A_11] : memref<1x10240xi32, #tpu.memory_space<vmem>>, vector<1x10240xi32>
    %eq3A = vector.broadcast %get3A_12 : vector<1x10240xi32> to vector<64x10240xi32>
    %eq3A_13 = arith.cmpi eq, %eq3A, %iota3A : vector<64x10240xi32>
    %get3A_14 = arith.constant 0 : index
    %get3A_15 = arith.constant 0 : index
    %get3A_16 = vector.load %arg0[%get3A_14, %get3A_15] : memref<1x10240xf32, #tpu.memory_space<vmem>>, vector<1x10240xf32>
    %jit3A = arith.constant -1.000000e+00 : f32
    %broadcast_in_dim3A = vector.shape_cast %get3A_16 : vector<1x10240xf32> to vector<1x10240xf32>
    %broadcast_in_dim3A_17 = vector.broadcast %broadcast_in_dim3A : vector<1x10240xf32> to vector<64x10240xf32>
    %broadcast_in_dim3A_18 = vector.broadcast %jit3A : f32 to vector<64x10240xf32>
    %select_n3A = arith.select %eq3A_13, %broadcast_in_dim3A_17, %broadcast_in_dim3A_18 : vector<64x10240xi1>, vector<64x10240xf32>
    %broadcast_in_dim3A_19 = arith.constant 0.000000e+00 : f32
    %broadcast_in_dim3A_20 = vector.broadcast %broadcast_in_dim3A_19 : f32 to vector<64x1xf32>
    %scan3A = arith.constant 1073741824 : i32
    %scan3A_21 = arith.constant 0 : i32
    %scan3A_22 = arith.constant 40 : i32
    %scan3A_23 = arith.addi %scan3A_21, %scan3A_22 : i32
    %scan3A_24 = arith.constant 1 : i32
    %scan3A_25:2 = scf.for %scan3A_35 = %scan3A_21 to %scan3A_23 step %scan3A_24 iter_args(%scan3A_36 = %select_n3A, %scan3A_37 = %broadcast_in_dim3A_20) -> (vector<64x10240xf32>, vector<64x1xf32>)  : i32 {
      %reduce_max3A = arith.constant dense<0xFF800000> : vector<64xf32>
      %reduce_max3A_38 = vector.multi_reduction <maximumf>, %scan3A_36, %reduce_max3A [1] : vector<64x10240xf32> to vector<64xf32>
      %broadcast_in_dim3A_39 = vector.shape_cast %reduce_max3A_38 : vector<64xf32> to vector<64x1xf32>
      %eq3A_40 = vector.broadcast %broadcast_in_dim3A_39 : vector<64x1xf32> to vector<64x10240xf32>
      %eq3A_41 = arith.cmpf oeq, %scan3A_36, %eq3A_40 : vector<64x10240xf32>
      %broadcast_in_dim3A_42 = vector.broadcast %scan3A : i32 to vector<64x10240xi32>
      %select_n3A_43 = arith.select %eq3A_41, %iota3A_9, %broadcast_in_dim3A_42 : vector<64x10240xi1>, vector<64x10240xi32>
      %reduce_min3A = arith.constant dense<2147483647> : vector<64xi32>
      %reduce_min3A_44 = vector.multi_reduction <minsi>, %select_n3A_43, %reduce_min3A [1] : vector<64x10240xi32> to vector<64xi32>
      %broadcast_in_dim3A_45 = vector.shape_cast %reduce_min3A_44 : vector<64xi32> to vector<64x1xi32>
      %eq3A_46 = vector.broadcast %broadcast_in_dim3A_45 : vector<64x1xi32> to vector<64x10240xi32>
      %eq3A_47 = arith.cmpi eq, %iota3A_9, %eq3A_46 : vector<64x10240xi32>
      %get3A_48 = arith.index_cast %scan3A_35 : i32 to index
      %get3A_49 = arith.constant 0 : index
      %get3A_50 = vector.load %arg6[%get3A_48, %get3A_49] : memref<40x10240xf32, #tpu.memory_space<vmem>>, vector<1x10240xf32>
      %jit3A_51 = arith.constant 0.000000e+00 : f32
      %broadcast_in_dim3A_52 = vector.shape_cast %get3A_50 : vector<1x10240xf32> to vector<1x10240xf32>
      %broadcast_in_dim3A_53 = vector.broadcast %broadcast_in_dim3A_52 : vector<1x10240xf32> to vector<64x10240xf32>
      %broadcast_in_dim3A_54 = vector.broadcast %jit3A_51 : f32 to vector<64x10240xf32>
      %select_n3A_55 = arith.select %eq3A_47, %broadcast_in_dim3A_53, %broadcast_in_dim3A_54 : vector<64x10240xi1>, vector<64x10240xf32>
      %reduce_sum3A = arith.constant dense<0.000000e+00> : vector<64xf32>
      %reduce_sum3A_56 = vector.multi_reduction <add>, %select_n3A_55, %reduce_sum3A [1] : vector<64x10240xf32> to vector<64xf32>
      %broadcast_in_dim3A_57 = vector.shape_cast %reduce_sum3A_56 : vector<64xf32> to vector<64x1xf32>
      %ge3A = arith.constant 0.000000e+00 : f32
      %ge3A_58 = vector.broadcast %ge3A : f32 to vector<64x1xf32>
      %ge3A_59 = arith.cmpf oge, %broadcast_in_dim3A_39, %ge3A_58 : vector<64x1xf32>
      %jit3A_60 = arith.constant 0.000000e+00 : f32
      %broadcast_in_dim3A_61 = vector.broadcast %jit3A_60 : f32 to vector<64x1xf32>
      %select_n3A_62 = arith.select %ge3A_59, %broadcast_in_dim3A_57, %broadcast_in_dim3A_61 : vector<64x1xi1>, vector<64x1xf32>
      %add3A_63 = arith.addf %scan3A_37, %select_n3A_62 : vector<64x1xf32>
      %jit3A_64 = arith.constant -2.000000e+00 : f32
      %broadcast_in_dim3A_65 = vector.broadcast %jit3A_64 : f32 to vector<64x10240xf32>
      %select_n3A_66 = arith.select %eq3A_47, %broadcast_in_dim3A_65, %scan3A_36 : vector<64x10240xi1>, vector<64x10240xf32>
      scf.yield %select_n3A_66, %add3A_63 : vector<64x10240xf32>, vector<64x1xf32>
    }
    %scan3A_26 = arith.constant 40 : i32
    %get3A_27 = arith.constant 0 : index
    %get3A_28 = arith.constant 0 : index
    %get3A_29 = vector.load %arg4[%get3A_27, %get3A_28] : memref<1x1xf32, #tpu.memory_space<vmem>>, vector<1x1xf32>
    %get3A_30 = vector.extract %get3A_29[0, 0] : f32 from vector<1x1xf32>
    %add3A = vector.broadcast %get3A_30 : f32 to vector<64x1xf32>
    %add3A_31 = arith.addf %scan3A_25#1, %add3A : vector<64x1xf32>
    %swap3A_32 = arith.constant 0 : index
    %swap3A_33 = arith.constant 0 : index
    %swap3A_34 = vector.load %arg5[%swap3A_32, %swap3A_33] : memref<64x1xf32, #tpu.memory_space<vmem>>, vector<64x1xf32>
    tpu.vector_store %arg5[%swap3A_32, %swap3A_33], %add3A_31 {strides = array<i32>} : memref<64x1xf32, #tpu.memory_space<vmem>>, vector<64x1xf32>,
    return
  }
}

</mosaic_0001>

<sc_bundles>
// kernel: kernel.12.cloned.1.call-start
scs
__scs_entry_jumppad:
0x0: {  	(pc) =	sbr.rel $0x88, $3  }
0x1: {  	(tag) =	ssettag $0x0;
	lr =	simm.s32 $0x1  }
0x2: {  	[smem:$0x3F98] =	sst lr;
	_ =	strace $0xD0000000  }
0x3: {  	_ = 	snop  }
0x4: {  	_ = 	snop  }
0x5: {  	_ = 	snop  }
0x6: {  	_ = 	snop  }
0x7: {  	_ = 	snop  }
__scs_overlays_trampoline_lowered:
0x8: {  	[smem:$0x3FA7] =	sst s0  }
0x9: {  	[smem:$0x3FA8] =	sst s1  }
0xa: {  	[smem:$0x3FA9] =	sst s2  }
0xb: {  	[smem:$0x3FAA] =	sst s3  }
0xc: {  	[smem:$0x3FAB] =	sst s4  }
0xd: {  	[smem:$0x3FAC] =	sst s5  }
0xe: {  	[smem:$0x3FAD] =	sst s6  }
0xf: {  	[smem:$0x3FAE] =	sst s7  }
0x10: {  	[smem:$0x3FAF] =	sst s8  }
0x11: {  	[smem:$0x3FB0] =	sst s9;
	s0 =	simm.s32 @!p0 $0x0  }
0x12: {  	s1 =	sld [smem:$0x3F96];
	s0 =	simm.s32 @p0 $0x1  }
0x13: {  	[smem:$0x3FB1] =	sst s0;
	s0 =	simm.s32 @!p1 $0x0  }
0x14: {  	s2 =	sld [smem:$0x3F95];
	s0 =	simm.s32 @p1 $0x1  }
0x15: {  	[smem:$0x3FB2] =	sst s0;
	s0 =	simm.s32 @!p2 $0x0  }
0x16: {  	s3 =	sld [smem:$0x3FDB];
	s0 =	simm.s32 @p2 $0x1  }
0x17: {  	s4 =	simm.s32 $0x1BF5;
	[smem:$0x3FB4] =	sst s0  }
0x18: {  	s0 =	sld [smem:$0x3F97];
	_ =	swait.ge [sflag:s4], $0x0  }
0x19: {  	s7 =	sld [smem:$0x3F98]  }
0x1a: {  	s8 =	sadd.s32 $0xFFFFE003, lr  }
0x1b: {  	s9 =	sadd.s32 $0xFFFFFEF7, lr;
	s5 =	simm.s32 $0xFFFFFFFF;
	p2 =	slt.u32 s8, $0xFFFFF086  }
0x1c: {  	p1 =	slt.u32 s9, $0xF7A;
	s5 =	simm.s32 @!p2 $0x0  }
0x1d: {  	s5 =	simm.s32 @p1 $0x1;
	p0 =	seq.s32 s7, s2  }
0x1e: {  	s7 =	smul.u32 @!p0 $0xF7A, s2;
	p2 =	seq.s32 @!p0 s5, $0x0  }
0x1f: {  	s9 =	smul.u32 $0xF7A, s1;
	s8 =	simm.s32 @!p0 $0x1BF5;
	p2 =	por !p2, p0  }
0x20: {  	[sflag:s8] =	ssyncset.s32 @!p0 $0xFFFFF086;
	s6 =	sadd.s32 @!p0 s3, s7;
	s7 =	simm.s32 @!p0 $0x108  }
0x21: {  	s3 =	sadd.s32 s3, s9;
	s6 =	sadd.s32 @!p0 $0x88, s6;
	s7 =	simm.s32 @p2 $0x1082  }
0x22: {  	[simem:s7], [sflag:s8] =	dma.local @!p0 [hbm:s6], $0xF7A  }
0x23: {  	s9 =	sor.u32 $0xD0000000, s2;
	s6 =	simm.s32 $0x108;
	_ =	swait.ge @!p0 [sflag:s8], $0x0  }
0x24: {  	s3 =	sadd.s32 $0x88, s3;
	s6 =	simm.s32 @!p1 $0x1082;
	[sflag:s4] =	ssyncset.s32 $0xFFFFF086  }
0x25: {  	[simem:s6], [sflag:s4] =	dma.local [hbm:s3], $0xF7A  }
0x26: {  	[smem:$0x3F98] =	sst s1;
	(tag) =	ssettag s2;
	_ =	strace s9  }
0x27: {  	s1 =	sld [smem:$0x3FA8]  }
0x28: {  	s2 =	sld [smem:$0x3FA9]  }
0x29: {  	s4 =	sld [smem:$0x3FAB]  }
0x2a: {  	p0 =	seq.s32 s5, $0x0;
	s5 =	sld [smem:$0x3FAC]  }
0x2b: {  	s6 =	sld [smem:$0x3FAD]  }
0x2c: {  	s7 =	sld [smem:$0x3FAE]  }
0x2d: {  	s3 =	simm.s32 $0x108;
	s8 =	sld [smem:$0x3FAF]  }
0x2e: {  	s3 =	simm.s32 @!p0 $0x1082;
	s9 =	sld [smem:$0x3FB0]  }
0x2f: {  	lr =	sadd.s32 s0, s3;
	s0 =	sld [smem:$0x3FA7]  }
0x30: {  	s3 =	sld [smem:$0x3FAA]  }
0x31: {  	[smem:$0x3FB3] =	sst s10  }
0x32: {  	s10 =	sld [smem:$0x3FB1];
	_ =	sdelay $0x3  }
0x33: {  	p0 =	seq.s32 s10, $0x1;
	s10 =	sld [smem:$0x3FB3];
	_ =	sdelay $0x3  }
0x34: {  	[smem:$0x3FB3] =	sst s10  }
0x35: {  	s10 =	sld [smem:$0x3FB2];
	_ =	sdelay $0x3  }
0x36: {  	p1 =	seq.s32 s10, $0x1;
	s10 =	sld [smem:$0x3FB3];
	_ =	sdelay $0x3  }
0x37: {  	[smem:$0x3FB3] =	sst s10  }
0x38: {  	s10 =	sld [smem:$0x3FB4]  }
0x39: {  	_ = 	snop;
	(pc) =	sbr.ind lr, $3  }
0x3a: {  	_ = 	snop  }
0x3b: {  	_ = 	snop  }
0x3c: {  	p2 =	seq.s32 s10, $0x1;
	s10 =	sld [smem:$0x3FB3]  }
0x3d: {  	_ =	shalt  }
0x3e: {  	_ =	shalt  }
0x3f: {  	_ =	shalt  }
0x40: {  	_ =	shalt  }
0x41: {  	_ =	shalt  }
0x42: {  	_ =	shalt  }
0x43: {  	_ =	shalt  }
0x44: {  	_ =	shalt  }
0x45: {  	_ =	shalt  }
0x46: {  	_ =	shalt  }
0x47: {  	_ =	shalt  }
0x48: {  	_ =	shalt  }
0x49: {  	_ =	shalt  }
0x4a: {  	_ =	shalt  }
0x4b: {  	_ =	shalt  }
0x4c: {  	_ =	shalt  }
0x4d: {  	_ =	shalt  }
0x4e: {  	_ =	shalt  }
0x4f: {  	_ =	shalt  }
0x50: {  	_ =	shalt  }
0x51: {  	_ =	shalt  }
0x52: {  	_ =	shalt  }
0x53: {  	_ =	shalt  }
0x54: {  	_ =	shalt  }
0x55: {  	_ =	shalt  }
0x56: {  	_ =	shalt  }
0x57: {  	_ =	shalt  }
0x58: {  	_ =	shalt  }
0x59: {  	_ =	shalt  }
0x5a: {  	_ =	shalt  }
0x5b: {  	_ =	shalt  }
0x5c: {  	_ =	shalt  }
0x5d: {  	_ =	shalt  }
0x5e: {  	_ =	shalt  }
0x5f: {  	_ =	shalt  }
0x60: {  	_ =	shalt  }
0x61: {  	_ =	shalt  }
0x62: {  	_ =	shalt  }
0x63: {  	_ =	shalt  }
0x64: {  	_ =	shalt  }
0x65: {  	_ =	shalt  }
0x66: {  	_ =	shalt  }
0x67: {  	_ =	shalt  }
0x68: {  	_ =	shalt  }
0x69: {  	_ =	shalt  }
0x6a: {  	_ =	shalt  }
0x6b: {  	_ =	shalt  }
0x6c: {  	_ =	shalt  }
0x6d: {  	_ =	shalt  }
0x6e: {  	_ =	shalt  }
0x6f: {  	_ =	shalt  }
0x70: {  	_ =	shalt  }
0x71: {  	_ =	shalt  }
0x72: {  	_ =	shalt  }
0x73: {  	_ =	shalt  }
0x74: {  	_ =	shalt  }
0x75: {  	_ =	shalt  }
0x76: {  	_ =	shalt  }
0x77: {  	_ =	shalt  }
0x78: {  	_ =	shalt  }
0x79: {  	_ =	shalt  }
0x7a: {  	_ =	shalt  }
0x7b: {  	_ =	shalt  }
0x7c: {  	_ =	shalt  }
0x7d: {  	_ =	shalt  }
0x7e: {  	_ =	shalt  }
0x7f: {  	_ =	shalt  }
0x80: {  	_ =	shalt  }
0x81: {  	_ =	shalt  }
0x82: {  	_ =	shalt  }
0x83: {  	_ =	shalt  }
0x84: {  	_ =	shalt  }
0x85: {  	_ =	shalt  }
0x86: {  	_ =	shalt  }
0x87: {  	_ =	shalt  }
.Lfunc_end0:
.L_simem_size_0:
called_computation.1_lowered:
.L_overlay_start_0:
0x88: {  	s2 =	sld [smem:$0x3FD9]  }
0x89: {  	s3 =	sld [smem:$0x3FFE];
	_ =	sdelay $0x1  }
0x8a: {  	s1 =	srdreg.scid  }
0x8b: {  	s0 =	sand.u32 $0x1, s1  }
0x8c: {  	s16 =	sshll.u32 s0, $0xA;
	s2 =	sadd.s32 s3, s2  }
0x8d: {  	s2 =	sadd.s32 s2, s16  }
0x8e: {  	[smem:$0x3FBF] =	sst s2  }
0x8f: {  	_ = 	snop  }
0x90: {  	(tm) =	ssettm $0x1  }
0x91: {  	s17 =	sld [smem:$0x3FFB];
	_ =	sdelay $0x3  }
0x92: {  	_ =	strace s17  }
0x93: {  	s2 =	sld [smem:$0x3FFC];
	_ =	sdelay $0x3  }
0x94: {  	_ =	strace s2  }
0x95: {  	s2 =	sld [smem:$0x3FFD];
	_ =	sdelay $0x3  }
0x96: {  	_ =	strace s2  }
0x97: {  	_ =	strace $0x8FFFFFFF  }
0x98: {  	s18 =	sld [smem:$0x3FDB];
	_ =	sdelay $0x1  }
0x99: {  	s19 =	simm.s32 $_scs_section_size  }
0x9a: {  	s4 =	simm.s32 $_size__tile_overlayer_lowered;
	s5 =	simm.s32 $_tile_overlayer_lowered  }
0x9b: {  	s22 =	simm.s32 $0x1BFF;
	s21 =	sshll.u32 s5, $0x1;
	s2 =	sadd.s32 s19, s18  }
0x9c: {  	s6 =	simm.s32 $0x0;
	s20 =	sshll.u32 s4, $0x1;
	s4 =	sadd.s32 s21, s2  }
0x9d: {  	[timem:s6], [sflag:s22] =	dma.local [hbm:s4], s20  }
0x9e: {  	_ =	swait.ge [sflag:s22], s20  }
0x9f: {  	s3 =	ssub.s32 $0x0, s20;
	[sflag:s22] =	ssyncset.done $0x0  }
0xa0: {  	[sflag:s22] =	ssyncadd.s32 s3;
	_ =	sdelay $0x1  }
0xa1: {  	s23 =	simm.s32 $0x1B8B  }
0xa2: {  	_ =	swait.ge [sflag:s23], $0x1  }
0xa3: {  	[sflag:s23] =	ssyncset.done $0x0  }
0xa4: {  	s25 =	simm.s32 $0x1B8E;
	s24 =	sld [smem:$0x3FFE];
	[sflag:s23] =	ssyncadd.s32 $0xFFFFFFFF  }
0xa5: {  	s26 =	simm.s32 $execute0_lowered;
	[smem:$0x3FD2] =	sst s25  }
0xa6: {  	s4 =	sshll.u32 s26, $0x1;
	_ =	strace $0x80000049;
	[dreg:$0x1] =	wrdreg $0xFFFFFFFF  }
0xa7: {  	s28 =	simm.s32 $_size_execute0_lowered;
	s2 =	sadd.s32 s2, s4;
	[dreg:$0x0] =	wrdreg $0x0  }
0xa8: {  	s4 =	sshll.u32 s28, $0x1;
	[dreg:$0x2] =	wrdreg s2  }
0xa9: {  	[dreg:$0x3] =	wrdreg s4  }
0xaa: {  	[dreg:$0x4] =	wrdreg $0xC0  }
0xab: {  	_ =	task [dreg:s6], $0x5FFFF  }
0xac: {  	[dreg:$0x1] =	wrdreg $0xFFFFFFFF  }
0xad: {  	[dreg:$0x0] =	wrdreg $0x60  }
0xae: {  	[dreg:$0x2] =	wrdreg s24  }
0xaf: {  	[dreg:$0x3] =	wrdreg $0x70000  }
0xb0: {  	[dreg:$0x4] =	wrdreg $0x9  }
0xb1: {  	_ =	task.clear_ibuf [dreg:s6], $0x5FFFF;
	_ =	strace $0x90000049  }
0xb2: {  	s29 =	simm.s32 $0x9;
	_ =	strace $0x8000004B  }
0xb3: {  	_ =	swait.ge [sflag:s29], $0x1  }
0xb4: {  	[sflag:s29] =	ssyncadd.s32 $0xFFFFFFFF  }
0xb5: {  	_ =	strace $0x9000004B  }
0xb6: {  	_ =	sfence  }
0xb7: {  	s30 =	sld [smem:$0x0];
	_ =	sdelay $0x2  }
0xb8: {  	s31 =	sshll.u32 s1, $0xD;
	s1 =	sshrl.u32 s1, $0x2  }
0xb9: {  	s3 =	sand.u32 $0x4000, s31;
	s1 =	sadd.s32 s1, s30  }
0xba: {  	s0 =	sor.u32 s3, s0;
	s1 =	sshll.u32 s1, $0x11  }
0xbb: {  	s0 =	sor.u32 s1, s0  }
0xbc: {  	s0 =	sadd.s32 $0x8F2B, s0  }
0xbd: {  	[sflag:s0] =	ssyncadd.remote.s32 $0x1  }
0xbe: {  	_ =	sfence.sel $0xFFFF  }
0xbf: {  	[dreg:$0x0] =	wrdreg $0xFFFFFFFF;
	(pc) =	sbr.abs _section_cstart, $3  }
0xc0: {  	[dreg:$0x1] =	wrdreg $0xFFFFFFFF  }
0xc1: {  	_ =	task.clear_ibuf [dreg:s6], $0x2FFFF;
	_ =	strace $0x9FFFFFFF  }
0xc2: {  	(tm) =	ssettm $0x7FFFFFFF  }
0xc3: {  	_ =	shalt  }
tec
execute0_lowered:
.L_overlay_start_1:
0x0: {  	(tag) =	ssettag $0x1  }
0x1: {  	s1 =	srdreg.scid  }
0x2: {  	s0 =	stileid.u32;
	s6 =	rddreg [dreg:$0x0]  }
0x3: {  	s3 =	simm.s32 $0x0;
	s12 =	simm.s32 $0x5;
	s13 =	simm.s32 $0x2800  }
0x4: {  	s14 =	simm.s32 $0x80;
	s15 =	simm.s32 $0x5000;
	s16 =	simm.s32 $0x5800  }
0x5: {  	s17 =	simm.s32 $0x100;
	s18 =	simm.s32 $0x6000;
	s19 =	simm.s32 $0x180  }
0x6: {  	s20 =	simm.s32 $0x6800;
	s21 =	simm.s32 $0x1;
	s22 =	simm.s32 $0x2  }
0x7: {  	s23 =	simm.s32 $0x3;
	s24 =	simm.s32 $0x4;
	s25 =	simm.s32 $0x4E00  }
0x8: {  	s28 =	simm.s32 $0x4F00;
	s29 =	simm.s32 $0x4F80;
	s30 =	simm.s32 $0x0  }
0x9: {  	s1 =	sand.u32 $0x1, s1;
	s2 =	sshll.u32 s0, $0x1;
	s7 =	smul.u32 $0x2800, s0  }
0xa: {  	[smem:$0x7FF] =	sst s3;
	s2 =	sor.u32 s1, s2;
	s5 =	smul.u32 $0x28000, s1  }
0xb: {  	s31 =	sshll.u32 s0, $0x6;
	s1 =	ssub.s32 $0x2, s1;
	s4 =	smul.u32 $0x500, s2  }
0xc: {  	s2 =	rddreg [dreg:$0x1];
	_ =	strace $0x8000004A;
	s26 =	sshrl.u32 s1, $0x1  }
0xd: {  	s5 =	sadd.s32 s7, s5;
	s1 =	ssub.s32 s1, s26;
	s11 =	sadd.s32 s7, s2  }
0xe: {  	s26 =	simm.s32 $0x4E80;
	s8 =	sadd.s32 s4, s6;
	s4 =	sadd.s32 $0xB400, s6  }
0xf: {  	s9 =	sshrl.u32 s5, $0x3;
	s5 =	sadd.s32 $0xAE00, s6;
	s10 =	smax.u32 s1, $0x1  }
0x10: {  	s11 =	sshrl.u32 s11, $0x3;
	s9 =	sadd.s32 s9, s6;
	s6 =	sor.u32 $0x1C05, s31  }
0x11: {  	s7 =	sadd.s32 $0x15600, s8;
	s8 =	sadd.s32 $0xE00, s8;
	s9 =	sadd.s32 $0x1F600, s9  }
.LBB2_1:
0x12: {  	[spmem:s11], [sflag:s6] =	dma.local [hbm:s5], $0x500  }
0x13: {  	_ =	swait.ge [sflag:s12], $0x500  }
0x14: {  	[sflag:s12] =	ssyncset.done $0x0  }
0x15: {  	[sflag:s12] =	ssyncadd.s32 $0xFFFFFB00  }
0x16: {  	[tilespmem:s3], [sflag:$0x5] =	stream.linear.gather [hbm4b:s7+s3], $0x2800, $0x38;
	[tilespmem:$0x9800] =	vst v63  }
0x17: {  	_ =	swait.ge [sflag:s12], $0x2800  }
0x18: {  	[sflag:s12] =	ssyncset.done $0x0  }
0x19: {  	[sflag:s12] =	ssyncadd.s32 $0xFFFFD800  }
0x1a: {  	[tilespmem:s13], [sflag:$0x5] =	stream.linear.gather [hbm4b:s8+s3], $0x2800, $0x38;
	[tilespmem:$0x9800] =	vst v63  }
0x1b: {  	_ =	swait.ge [sflag:s12], $0x2800  }
0x1c: {  	[sflag:s12] =	ssyncset.done $0x0  }
0x1d: {  	[sflag:s12] =	ssyncadd.s32 $0xFFFFD800  }
0x1e: {  	[bflag:$0x0] =	sbarrier.arrive $0xFFFF  }
0x1f: {  	[tilespmem:s15], [sflag:$0x1] =	stream.indirect.gather [hbm4b:s4+s14], $0x10, s3, s14, $0xb8;
	[tilespmem:$0x9800] =	vst v63  }
0x20: {  	_ = 	snop  }
0x21: {  	[tilespmem:s16], [sflag:$0x2] =	stream.indirect.gather [hbm4b:s4+s14], $0x10, s14, s14, $0xb8;
	[tilespmem:$0x9800] =	vst v63  }
0x22: {  	_ = 	snop  }
0x23: {  	[tilespmem:s18], [sflag:$0x3] =	stream.indirect.gather [hbm4b:s4+s14], $0x10, s17, s14, $0xb8;
	[tilespmem:$0x9800] =	vst v63  }
0x24: {  	_ = 	snop  }
0x25: {  	[tilespmem:s20], [sflag:$0x4] =	stream.indirect.gather [hbm4b:s4+s14], $0x10, s19, s14, $0xb8;
	[tilespmem:$0x9800] =	vst v63  }
0x26: {  	_ =	swait.ge [sflag:s21], $0x800  }
0x27: {  	[sflag:s21] =	ssyncset.done $0x0  }
0x28: {  	s1 =	simm.s32 $0x2800;
	[sflag:s21] =	ssyncadd.s32 $0xFFFFF800  }
0x29: {  	[spmem:s2] =	stream.indirect.scatter.add.f32 [tilespmem:s15], [sflag:$0x5], $0x10, s1, s14, $0xb8;
	[tilespmem:$0x9800] =	vst v63  }
0x2a: {  	_ =	swait.ge [sflag:s12], $0x800  }
0x2b: {  	[sflag:s12] =	ssyncset.done $0x0  }
0x2c: {  	s0 =	simm.s32 $0x200;
	[sflag:s12] =	ssyncadd.s32 $0xFFFFF800  }
0x2d: {  	[tilespmem:s15], [sflag:$0x1] =	stream.indirect.gather [hbm4b:s4+s14], $0x10, s0, s14, $0xb8;
	[tilespmem:$0x9800] =	vst v63  }
0x2e: {  	_ =	swait.ge [sflag:s22], $0x800  }
0x2f: {  	[sflag:s22] =	ssyncset.done $0x0  }
0x30: {  	s0 =	simm.s32 $0x2880;
	[sflag:s22] =	ssyncadd.s32 $0xFFFFF800  }
0x31: {  	[spmem:s2] =	stream.indirect.scatter.add.f32 [tilespmem:s16], [sflag:$0x5], $0x10, s0, s14, $0xb8;
	[tilespmem:$0x9800] =	vst v63  }
0x32: {  	_ =	swait.ge [sflag:s12], $0x800  }
0x33: {  	[sflag:s12] =	ssyncset.done $0x0  }
0x34: {  	s0 =	simm.s32 $0x280;
	[sflag:s12] =	ssyncadd.s32 $0xFFFFF800  }
0x35: {  	[tilespmem:s16], [sflag:$0x2] =	stream.indirect.gather [hbm4b:s4+s14], $0x10, s0, s14, $0xb8;
	[tilespmem:$0x9800] =	vst v63  }
0x36: {  	_ =	swait.ge [sflag:s23], $0x800  }
0x37: {  	[sflag:s23] =	ssyncset.done $0x0  }
0x38: {  	s0 =	simm.s32 $0x2900;
	[sflag:s23] =	ssyncadd.s32 $0xFFFFF800  }
0x39: {  	[spmem:s2] =	stream.indirect.scatter.add.f32 [tilespmem:s18], [sflag:$0x5], $0x10, s0, s14, $0xb8;
	[tilespmem:$0x9800] =	vst v63  }
0x3a: {  	_ =	swait.ge [sflag:s12], $0x800  }
0x3b: {  	[sflag:s12] =	ssyncset.done $0x0  }
0x3c: {  	s0 =	simm.s32 $0x300;
	[sflag:s12] =	ssyncadd.s32 $0xFFFFF800  }
0x3d: {  	[tilespmem:s18], [sflag:$0x3] =	stream.indirect.gather [hbm4b:s4+s14], $0x10, s0, s14, $0xb8;
	[tilespmem:$0x9800] =	vst v63  }
0x3e: {  	_ =	swait.ge [sflag:s24], $0x800  }
0x3f: {  	[sflag:s24] =	ssyncset.done $0x0  }
0x40: {  	s0 =	simm.s32 $0x2980;
	[sflag:s24] =	ssyncadd.s32 $0xFFFFF800  }
0x41: {  	[spmem:s2] =	stream.indirect.scatter.add.f32 [tilespmem:s20], [sflag:$0x5], $0x10, s0, s14, $0xb8;
	[tilespmem:$0x9800] =	vst v63  }
0x42: {  	_ =	swait.ge [sflag:s12], $0x800  }
0x43: {  	[sflag:s12] =	ssyncset.done $0x0  }
0x44: {  	s31 =	simm.s32 $0x800;
	s1 =	simm.s32 $0x380;
	[sflag:s12] =	ssyncadd.s32 $0xFFFFF800  }
.LBB2_2:
0x45: {  	[tilespmem:s20], [sflag:$0x4] =	stream.indirect.gather [hbm4b:s4+s14], $0x10, s1, s14, $0xb8;
	[tilespmem:$0x9800] =	vst v63  }
0x46: {  	s1 =	smov.u32 s31  }
0x47: {  	p0 =	sne.s32 s31, $0x9000;
	s31 =	sadd.s32 $0x800, s31;
	_ =	swait.ge [sflag:s21], $0x800  }
0x48: {  	s1 =	sshra.s32 s1, $0x2;
	[sflag:s21] =	ssyncset.done $0x0  }
0x49: {  	s0 =	sadd.s32 $0x2800, s1;
	[sflag:s21] =	ssyncadd.s32 $0xFFFFF800  }
0x4a: {  	[spmem:s2] =	stream.indirect.scatter.add.f32 [tilespmem:s15], [sflag:$0x5], $0x10, s0, s14, $0xb8;
	[tilespmem:$0x9800] =	vst v63  }
0x4b: {  	_ =	swait.ge [sflag:s12], $0x800  }
0x4c: {  	[sflag:s12] =	ssyncset.done $0x0  }
0x4d: {  	s0 =	sadd.s32 $0x200, s1;
	[sflag:s12] =	ssyncadd.s32 $0xFFFFF800  }
0x4e: {  	[tilespmem:s15], [sflag:$0x1] =	stream.indirect.gather [hbm4b:s4+s14], $0x10, s0, s14, $0xb8;
	[tilespmem:$0x9800] =	vst v63  }
0x4f: {  	_ =	swait.ge [sflag:s22], $0x800  }
0x50: {  	[sflag:s22] =	ssyncset.done $0x0  }
0x51: {  	s0 =	sadd.s32 $0x2880, s1;
	[sflag:s22] =	ssyncadd.s32 $0xFFFFF800  }
0x52: {  	[spmem:s2] =	stream.indirect.scatter.add.f32 [tilespmem:s16], [sflag:$0x5], $0x10, s0, s14, $0xb8;
	[tilespmem:$0x9800] =	vst v63  }
0x53: {  	_ =	swait.ge [sflag:s12], $0x800  }
0x54: {  	[sflag:s12] =	ssyncset.done $0x0  }
0x55: {  	s0 =	sadd.s32 $0x280, s1;
	[sflag:s12] =	ssyncadd.s32 $0xFFFFF800  }
0x56: {  	[tilespmem:s16], [sflag:$0x2] =	stream.indirect.gather [hbm4b:s4+s14], $0x10, s0, s14, $0xb8;
	[tilespmem:$0x9800] =	vst v63  }
0x57: {  	_ =	swait.ge [sflag:s23], $0x800  }
0x58: {  	[sflag:s23] =	ssyncset.done $0x0  }
0x59: {  	s0 =	sadd.s32 $0x2900, s1;
	[sflag:s23] =	ssyncadd.s32 $0xFFFFF800  }
0x5a: {  	[spmem:s2] =	stream.indirect.scatter.add.f32 [tilespmem:s18], [sflag:$0x5], $0x10, s0, s14, $0xb8;
	[tilespmem:$0x9800] =	vst v63  }
0x5b: {  	_ =	swait.ge [sflag:s12], $0x800  }
0x5c: {  	[sflag:s12] =	ssyncset.done $0x0  }
0x5d: {  	s0 =	sadd.s32 $0x300, s1;
	[sflag:s12] =	ssyncadd.s32 $0xFFFFF800  }
0x5e: {  	[tilespmem:s18], [sflag:$0x3] =	stream.indirect.gather [hbm4b:s4+s14], $0x10, s0, s14, $0xb8;
	[tilespmem:$0x9800] =	vst v63  }
0x5f: {  	_ =	swait.ge [sflag:s24], $0x800  }
0x60: {  	[sflag:s24] =	ssyncset.done $0x0  }
.Ltmp0:
0x61: {  	s0 =	sadd.s32 $0x2980, s1;
	[sflag:s24] =	ssyncadd.s32 $0xFFFFF800;
	(pc) =	sbr.rel @p0 .LBB2_2-.Ltmp0, $4  }
0x62: {  	[spmem:s2] =	stream.indirect.scatter.add.f32 [tilespmem:s20], [sflag:$0x5], $0x10, s0, s14, $0xb8;
	[tilespmem:$0x9800] =	vst v63  }
0x63: {  	_ =	swait.ge [sflag:s12], $0x800  }
0x64: {  	[sflag:s12] =	ssyncset.done $0x0  }
0x65: {  	s1 =	sadd.s32 $0x380, s1;
	[sflag:s12] =	ssyncadd.s32 $0xFFFFF800  }
0x66: {  	[tilespmem:s20], [sflag:$0x4] =	stream.indirect.gather [hbm4b:s4+s14], $0x10, s1, s14, $0xb8;
	[tilespmem:$0x9800] =	vst v63  }
0x67: {  	_ =	swait.ge [sflag:s21], $0x800  }
0x68: {  	[sflag:s21] =	ssyncset.done $0x0  }
0x69: {  	[sflag:s21] =	ssyncadd.s32 $0xFFFFF800  }
0x6a: {  	[spmem:s2] =	stream.indirect.scatter.add.f32 [tilespmem:s15], [sflag:$0x5], $0x10, s25, s14, $0xb8;
	[tilespmem:$0x9800] =	vst v63  }
0x6b: {  	_ =	swait.ge [sflag:s12], $0x800  }
0x6c: {  	[sflag:s12] =	ssyncset.done $0x0  }
0x6d: {  	[sflag:s12] =	ssyncadd.s32 $0xFFFFF800  }
0x6e: {  	_ =	swait.ge [sflag:s22], $0x800  }
0x6f: {  	[sflag:s22] =	ssyncset.done $0x0  }
0x70: {  	[sflag:s22] =	ssyncadd.s32 $0xFFFFF800  }
0x71: {  	[spmem:s2] =	stream.indirect.scatter.add.f32 [tilespmem:s16], [sflag:$0x5], $0x10, s26, s14, $0xb8;
	[tilespmem:$0x9800] =	vst v63  }
0x72: {  	_ =	swait.ge [sflag:s12], $0x800  }
0x73: {  	[sflag:s12] =	ssyncset.done $0x0  }
0x74: {  	[sflag:s12] =	ssyncadd.s32 $0xFFFFF800  }
0x75: {  	_ =	swait.ge [sflag:s23], $0x800  }
0x76: {  	[sflag:s23] =	ssyncset.done $0x0  }
0x77: {  	[sflag:s23] =	ssyncadd.s32 $0xFFFFF800  }
0x78: {  	[spmem:s2] =	stream.indirect.scatter.add.f32 [tilespmem:s18], [sflag:$0x5], $0x10, s28, s14, $0xb8;
	[tilespmem:$0x9800] =	vst v63  }
0x79: {  	_ =	swait.ge [sflag:s12], $0x800  }
0x7a: {  	[sflag:s12] =	ssyncset.done $0x0  }
0x7b: {  	[sflag:s12] =	ssyncadd.s32 $0xFFFFF800  }
0x7c: {  	_ =	swait.ge [sflag:s24], $0x800  }
0x7d: {  	[sflag:s24] =	ssyncset.done $0x0  }
0x7e: {  	[sflag:s24] =	ssyncadd.s32 $0xFFFFF800  }
0x7f: {  	[spmem:s2] =	stream.indirect.scatter.add.f32 [tilespmem:s20], [sflag:$0x5], $0x10, s29, s14, $0xb8;
	[tilespmem:$0x9800] =	vst v63  }
0x80: {  	_ =	swait.ge [sflag:s12], $0x800  }
0x81: {  	s30 =	sadd.s32 $0x1, s30;
	[sflag:s12] =	ssyncset.done $0x0  }
0x82: {  	p0 =	sne.s32 s30, s10;
	[sflag:s12] =	ssyncadd.s32 $0xFFFFF800  }
.Ltmp1:
0x83: {  	[bflag:$0x0] =	sbarrier.arrive $0xFFFF;
	(pc) =	sbr.rel @p0 .LBB2_1-.Ltmp1, $4  }
0x84: {  	[hbm:s9], [sflag:s6] =	dma.local [spmem:s11], $0x500  }
0x85: {  	_ =	swait.ge [sflag:s12], $0x500  }
0x86: {  	[sflag:s12] =	ssyncset.done $0x0  }
0x87: {  	[sflag:s12] =	ssyncadd.s32 $0xFFFFFB00  }
0x88: {  	_ =	sfence.sel $0x180000  }
0x89: {  	[bflag:$0x0] =	sbarrier.arrive $0xFFFF  }
0x8a: {  	_ =	strace $0x9000004A  }
0x8b: {  	s0 =	stileid.u32;
	[bflag:$0x2] =	sbarrier.arrive $0xFFFF  }
0x8c: {  	p0 =	sne.s32 s0, $0x0;
	s0 =	rddreg [dreg:$0x2]  }
0x8d: {  	s0 =	sadd.s32 @!p0 $0x100000, s0  }
0x8e: {  	[sflag:s0] =	ssyncadd.tile.s32 @!p0 $0x1;
	_ =	shalt  }
.Lfunc_end2:
_tile_overlayer_lowered:
.L_overlay_start_2:
0x8f: {  	(tag) =	ssettag $0x2  }
0x90: {  	s0 =	rddreg [dreg:$0x0];
	s2 =	stileid.u32  }
0x91: {  	s1 =	rddreg [dreg:$0x1];
	p0 =	sne.s32 s2, $0x0  }
0x92: {  	s3 =	rddreg [dreg:$0x2];
	[bflag:$0x3] =	sbarrier.arrive $0xFFFF;
	s2 =	simm.s32 @!p0 $0x1C05  }
0x93: {  	[timem:s3], [sflag:s2] =	dma.local @!p0 [hbm:s0], s1  }
0x94: {  	s0 =	simm.s32 @!p0 $0x5  }
0x95: {  	_ =	swait.ge @!p0 [sflag:s0], s1  }
0x96: {  	s1 =	ssub.s32 @!p0 $0x0, s1;
	[sflag:s0] =	ssyncset.done @!p0 $0x0  }
0x97: {  	[sflag:s0] =	ssyncadd.s32 @!p0 s1  }
0x98: {  	[bflag:$0x3] =	sbarrier.arrive $0xFFFF  }
0x99: {  	_ =	shalt  }

// kernel: kernel.15.cloned.1.call-start
scs
__scs_entry_jumppad:
0x0: {  	(pc) =	sbr.rel $0x88, $3  }
0x1: {  	(tag) =	ssettag $0x0;
	lr =	simm.s32 $0x1  }
0x2: {  	[smem:$0x3F98] =	sst lr;
	_ =	strace $0xD0000000  }
0x3: {  	_ = 	snop  }
0x4: {  	_ = 	snop  }
0x5: {  	_ = 	snop  }
0x6: {  	_ = 	snop  }
0x7: {  	_ = 	snop  }
__scs_overlays_trampoline_lowered:
0x8: {  	[smem:$0x3FA7] =	sst s0  }
0x9: {  	[smem:$0x3FA8] =	sst s1  }
0xa: {  	[smem:$0x3FA9] =	sst s2  }
0xb: {  	[smem:$0x3FAA] =	sst s3  }
0xc: {  	[smem:$0x3FAB] =	sst s4  }
0xd: {  	[smem:$0x3FAC] =	sst s5  }
0xe: {  	[smem:$0x3FAD] =	sst s6  }
0xf: {  	[smem:$0x3FAE] =	sst s7  }
0x10: {  	[smem:$0x3FAF] =	sst s8  }
0x11: {  	[smem:$0x3FB0] =	sst s9;
	s0 =	simm.s32 @!p0 $0x0  }
0x12: {  	s1 =	sld [smem:$0x3F96];
	s0 =	simm.s32 @p0 $0x1  }
0x13: {  	[smem:$0x3FB1] =	sst s0;
	s0 =	simm.s32 @!p1 $0x0  }
0x14: {  	s2 =	sld [smem:$0x3F95];
	s0 =	simm.s32 @p1 $0x1  }
0x15: {  	[smem:$0x3FB2] =	sst s0;
	s0 =	simm.s32 @!p2 $0x0  }
0x16: {  	s3 =	sld [smem:$0x3FDB];
	s0 =	simm.s32 @p2 $0x1  }
0x17: {  	s4 =	simm.s32 $0x1BF5;
	[smem:$0x3FB4] =	sst s0  }
0x18: {  	s0 =	sld [smem:$0x3F97];
	_ =	swait.ge [sflag:s4], $0x0  }
0x19: {  	s7 =	sld [smem:$0x3F98]  }
0x1a: {  	s8 =	sadd.s32 $0xFFFFE003, lr  }
0x1b: {  	s9 =	sadd.s32 $0xFFFFFEF7, lr;
	s5 =	simm.s32 $0xFFFFFFFF;
	p2 =	slt.u32 s8, $0xFFFFF086  }
0x1c: {  	p1 =	slt.u32 s9, $0xF7A;
	s5 =	simm.s32 @!p2 $0x0  }
0x1d: {  	s5 =	simm.s32 @p1 $0x1;
	p0 =	seq.s32 s7, s2  }
0x1e: {  	s7 =	smul.u32 @!p0 $0xF7A, s2;
	p2 =	seq.s32 @!p0 s5, $0x0  }
0x1f: {  	s9 =	smul.u32 $0xF7A, s1;
	s8 =	simm.s32 @!p0 $0x1BF5;
	p2 =	por !p2, p0  }
0x20: {  	[sflag:s8] =	ssyncset.s32 @!p0 $0xFFFFF086;
	s6 =	sadd.s32 @!p0 s3, s7;
	s7 =	simm.s32 @!p0 $0x108  }
0x21: {  	s3 =	sadd.s32 s3, s9;
	s6 =	sadd.s32 @!p0 $0x88, s6;
	s7 =	simm.s32 @p2 $0x1082  }
0x22: {  	[simem:s7], [sflag:s8] =	dma.local @!p0 [hbm:s6], $0xF7A  }
0x23: {  	s9 =	sor.u32 $0xD0000000, s2;
	s6 =	simm.s32 $0x108;
	_ =	swait.ge @!p0 [sflag:s8], $0x0  }
0x24: {  	s3 =	sadd.s32 $0x88, s3;
	s6 =	simm.s32 @!p1 $0x1082;
	[sflag:s4] =	ssyncset.s32 $0xFFFFF086  }
0x25: {  	[simem:s6], [sflag:s4] =	dma.local [hbm:s3], $0xF7A  }
0x26: {  	[smem:$0x3F98] =	sst s1;
	(tag) =	ssettag s2;
	_ =	strace s9  }
0x27: {  	s1 =	sld [smem:$0x3FA8]  }
0x28: {  	s2 =	sld [smem:$0x3FA9]  }
0x29: {  	s4 =	sld [smem:$0x3FAB]  }
0x2a: {  	p0 =	seq.s32 s5, $0x0;
	s5 =	sld [smem:$0x3FAC]  }
0x2b: {  	s6 =	sld [smem:$0x3FAD]  }
0x2c: {  	s7 =	sld [smem:$0x3FAE]  }
0x2d: {  	s3 =	simm.s32 $0x108;
	s8 =	sld [smem:$0x3FAF]  }
0x2e: {  	s3 =	simm.s32 @!p0 $0x1082;
	s9 =	sld [smem:$0x3FB0]  }
0x2f: {  	lr =	sadd.s32 s0, s3;
	s0 =	sld [smem:$0x3FA7]  }
0x30: {  	s3 =	sld [smem:$0x3FAA]  }
0x31: {  	[smem:$0x3FB3] =	sst s10  }
0x32: {  	s10 =	sld [smem:$0x3FB1];
	_ =	sdelay $0x3  }
0x33: {  	p0 =	seq.s32 s10, $0x1;
	s10 =	sld [smem:$0x3FB3];
	_ =	sdelay $0x3  }
0x34: {  	[smem:$0x3FB3] =	sst s10  }
0x35: {  	s10 =	sld [smem:$0x3FB2];
	_ =	sdelay $0x3  }
0x36: {  	p1 =	seq.s32 s10, $0x1;
	s10 =	sld [smem:$0x3FB3];
	_ =	sdelay $0x3  }
0x37: {  	[smem:$0x3FB3] =	sst s10  }
0x38: {  	s10 =	sld [smem:$0x3FB4]  }
0x39: {  	_ = 	snop;
	(pc) =	sbr.ind lr, $3  }
0x3a: {  	_ = 	snop  }
0x3b: {  	_ = 	snop  }
0x3c: {  	p2 =	seq.s32 s10, $0x1;
	s10 =	sld [smem:$0x3FB3]  }
0x3d: {  	_ =	shalt  }
0x3e: {  	_ =	shalt  }
0x3f: {  	_ =	shalt  }
0x40: {  	_ =	shalt  }
0x41: {  	_ =	shalt  }
0x42: {  	_ =	shalt  }
0x43: {  	_ =	shalt  }
0x44: {  	_ =	shalt  }
0x45: {  	_ =	shalt  }
0x46: {  	_ =	shalt  }
0x47: {  	_ =	shalt  }
0x48: {  	_ =	shalt  }
0x49: {  	_ =	shalt  }
0x4a: {  	_ =	shalt  }
0x4b: {  	_ =	shalt  }
0x4c: {  	_ =	shalt  }
0x4d: {  	_ =	shalt  }
0x4e: {  	_ =	shalt  }
0x4f: {  	_ =	shalt  }
0x50: {  	_ =	shalt  }
0x51: {  	_ =	shalt  }
0x52: {  	_ =	shalt  }
0x53: {  	_ =	shalt  }
0x54: {  	_ =	shalt  }
0x55: {  	_ =	shalt  }
0x56: {  	_ =	shalt  }
0x57: {  	_ =	shalt  }
0x58: {  	_ =	shalt  }
0x59: {  	_ =	shalt  }
0x5a: {  	_ =	shalt  }
0x5b: {  	_ =	shalt  }
0x5c: {  	_ =	shalt  }
0x5d: {  	_ =	shalt  }
0x5e: {  	_ =	shalt  }
0x5f: {  	_ =	shalt  }
0x60: {  	_ =	shalt  }
0x61: {  	_ =	shalt  }
0x62: {  	_ =	shalt  }
0x63: {  	_ =	shalt  }
0x64: {  	_ =	shalt  }
0x65: {  	_ =	shalt  }
0x66: {  	_ =	shalt  }
0x67: {  	_ =	shalt  }
0x68: {  	_ =	shalt  }
0x69: {  	_ =	shalt  }
0x6a: {  	_ =	shalt  }
0x6b: {  	_ =	shalt  }
0x6c: {  	_ =	shalt  }
0x6d: {  	_ =	shalt  }
0x6e: {  	_ =	shalt  }
0x6f: {  	_ =	shalt  }
0x70: {  	_ =	shalt  }
0x71: {  	_ =	shalt  }
0x72: {  	_ =	shalt  }
0x73: {  	_ =	shalt  }
0x74: {  	_ =	shalt  }
0x75: {  	_ =	shalt  }
0x76: {  	_ =	shalt  }
0x77: {  	_ =	shalt  }
0x78: {  	_ =	shalt  }
0x79: {  	_ =	shalt  }
0x7a: {  	_ =	shalt  }
0x7b: {  	_ =	shalt  }
0x7c: {  	_ =	shalt  }
0x7d: {  	_ =	shalt  }
0x7e: {  	_ =	shalt  }
0x7f: {  	_ =	shalt  }
0x80: {  	_ =	shalt  }
0x81: {  	_ =	shalt  }
0x82: {  	_ =	shalt  }
0x83: {  	_ =	shalt  }
0x84: {  	_ =	shalt  }
0x85: {  	_ =	shalt  }
0x86: {  	_ =	shalt  }
0x87: {  	_ =	shalt  }
.Lfunc_end0:
.L_simem_size_0:
called_computation.2_lowered:
.L_overlay_start_0:
0x88: {  	s2 =	sld [smem:$0x3FD9]  }
0x89: {  	s3 =	sld [smem:$0x3FFE];
	_ =	sdelay $0x1  }
0x8a: {  	s1 =	srdreg.scid  }
0x8b: {  	s0 =	sand.u32 $0x1, s1  }
0x8c: {  	s16 =	sshll.u32 s0, $0xA;
	s2 =	sadd.s32 s3, s2  }
0x8d: {  	s2 =	sadd.s32 s2, s16  }
0x8e: {  	[smem:$0x3FBF] =	sst s2  }
0x8f: {  	_ = 	snop  }
0x90: {  	(tm) =	ssettm $0x1  }
0x91: {  	s17 =	sld [smem:$0x3FFB];
	_ =	sdelay $0x3  }
0x92: {  	_ =	strace s17  }
0x93: {  	s2 =	sld [smem:$0x3FFC];
	_ =	sdelay $0x3  }
0x94: {  	_ =	strace s2  }
0x95: {  	s2 =	sld [smem:$0x3FFD];
	_ =	sdelay $0x3  }
0x96: {  	_ =	strace s2  }
0x97: {  	_ =	strace $0x8FFFFFFF  }
0x98: {  	s18 =	sld [smem:$0x3FDB];
	_ =	sdelay $0x1  }
0x99: {  	s19 =	simm.s32 $_scs_section_size  }
0x9a: {  	s4 =	simm.s32 $_size__tile_overlayer_lowered;
	s5 =	simm.s32 $_tile_overlayer_lowered  }
0x9b: {  	s22 =	simm.s32 $0x1BFF;
	s21 =	sshll.u32 s5, $0x1;
	s2 =	sadd.s32 s19, s18  }
0x9c: {  	s6 =	simm.s32 $0x0;
	s20 =	sshll.u32 s4, $0x1;
	s4 =	sadd.s32 s21, s2  }
0x9d: {  	[timem:s6], [sflag:s22] =	dma.local [hbm:s4], s20  }
0x9e: {  	_ =	swait.ge [sflag:s22], s20  }
0x9f: {  	s3 =	ssub.s32 $0x0, s20;
	[sflag:s22] =	ssyncset.done $0x0  }
0xa0: {  	[sflag:s22] =	ssyncadd.s32 s3;
	_ =	sdelay $0x1  }
0xa1: {  	s23 =	simm.s32 $0x1B8B  }
0xa2: {  	_ =	swait.ge [sflag:s23], $0x1  }
0xa3: {  	[sflag:s23] =	ssyncset.done $0x0  }
0xa4: {  	s25 =	simm.s32 $0x1B8E;
	s24 =	sld [smem:$0x3FFE];
	[sflag:s23] =	ssyncadd.s32 $0xFFFFFFFF  }
0xa5: {  	s26 =	simm.s32 $execute0_lowered;
	[smem:$0x3FD2] =	sst s25  }
0xa6: {  	s4 =	sshll.u32 s26, $0x1;
	_ =	strace $0x8000004C;
	[dreg:$0x1] =	wrdreg $0xFFFFFFFF  }
0xa7: {  	s28 =	simm.s32 $_size_execute0_lowered;
	s2 =	sadd.s32 s2, s4;
	[dreg:$0x0] =	wrdreg $0x0  }
0xa8: {  	s4 =	sshll.u32 s28, $0x1;
	[dreg:$0x2] =	wrdreg s2  }
0xa9: {  	[dreg:$0x3] =	wrdreg s4  }
0xaa: {  	[dreg:$0x4] =	wrdreg $0xC0  }
0xab: {  	_ =	task [dreg:s6], $0x5FFFF  }
0xac: {  	[dreg:$0x1] =	wrdreg $0xFFFFFFFF  }
0xad: {  	[dreg:$0x0] =	wrdreg $0x60  }
0xae: {  	[dreg:$0x2] =	wrdreg s24  }
0xaf: {  	[dreg:$0x3] =	wrdreg $0x70000  }
0xb0: {  	[dreg:$0x4] =	wrdreg $0x9  }
0xb1: {  	_ =	task.clear_ibuf [dreg:s6], $0x5FFFF;
	_ =	strace $0x9000004C  }
0xb2: {  	s29 =	simm.s32 $0x9;
	_ =	strace $0x8000004E  }
0xb3: {  	_ =	swait.ge [sflag:s29], $0x1  }
0xb4: {  	[sflag:s29] =	ssyncadd.s32 $0xFFFFFFFF  }
0xb5: {  	_ =	strace $0x9000004E  }
0xb6: {  	_ =	sfence  }
0xb7: {  	s30 =	sld [smem:$0x0];
	_ =	sdelay $0x2  }
0xb8: {  	s31 =	sshll.u32 s1, $0xD;
	s1 =	sshrl.u32 s1, $0x2  }
0xb9: {  	s3 =	sand.u32 $0x4000, s31;
	s1 =	sadd.s32 s1, s30  }
0xba: {  	s0 =	sor.u32 s3, s0;
	s1 =	sshll.u32 s1, $0x11  }
0xbb: {  	s0 =	sor.u32 s1, s0  }
0xbc: {  	s0 =	sadd.s32 $0x8F2B, s0  }
0xbd: {  	[sflag:s0] =	ssyncadd.remote.s32 $0x1  }
0xbe: {  	_ =	sfence.sel $0xFFFF  }
0xbf: {  	[dreg:$0x0] =	wrdreg $0xFFFFFFFF;
	(pc) =	sbr.abs _section_cstart, $3  }
0xc0: {  	[dreg:$0x1] =	wrdreg $0xFFFFFFFF  }
0xc1: {  	_ =	task.clear_ibuf [dreg:s6], $0x2FFFF;
	_ =	strace $0x9FFFFFFF  }
0xc2: {  	(tm) =	ssettm $0x7FFFFFFF  }
0xc3: {  	_ =	shalt  }
tec
execute0_lowered:
.L_overlay_start_1:
0x0: {  	(tag) =	ssettag $0x1  }
0x1: {  	s1 =	srdreg.scid  }
0x2: {  	s0 =	stileid.u32;
	s6 =	rddreg [dreg:$0x0]  }
0x3: {  	s3 =	simm.s32 $0x0;
	s12 =	simm.s32 $0x5;
	s13 =	simm.s32 $0x2800  }
0x4: {  	s14 =	simm.s32 $0x80;
	s15 =	simm.s32 $0x5000;
	s16 =	simm.s32 $0x5800  }
0x5: {  	s17 =	simm.s32 $0x100;
	s18 =	simm.s32 $0x6000;
	s19 =	simm.s32 $0x180  }
0x6: {  	s20 =	simm.s32 $0x6800;
	s21 =	simm.s32 $0x1;
	s22 =	simm.s32 $0x2  }
0x7: {  	s23 =	simm.s32 $0x3;
	s24 =	simm.s32 $0x4;
	s25 =	simm.s32 $0x4E00  }
0x8: {  	s28 =	simm.s32 $0x4F00;
	s29 =	simm.s32 $0x4F80;
	s30 =	simm.s32 $0x0  }
0x9: {  	s1 =	sand.u32 $0x1, s1;
	s2 =	sshll.u32 s0, $0x1;
	s7 =	smul.u32 $0x2800, s0  }
0xa: {  	[smem:$0x7FF] =	sst s3;
	s2 =	sor.u32 s1, s2;
	s5 =	smul.u32 $0x28000, s1  }
0xb: {  	s31 =	sshll.u32 s0, $0x6;
	s1 =	ssub.s32 $0x2, s1;
	s4 =	smul.u32 $0x500, s2  }
0xc: {  	s2 =	rddreg [dreg:$0x1];
	_ =	strace $0x8000004D;
	s26 =	sshrl.u32 s1, $0x1  }
0xd: {  	s5 =	sadd.s32 s7, s5;
	s1 =	ssub.s32 s1, s26;
	s11 =	sadd.s32 s7, s2  }
0xe: {  	s26 =	simm.s32 $0x4E80;
	s8 =	sadd.s32 s4, s6;
	s4 =	sadd.s32 $0xB400, s6  }
0xf: {  	s9 =	sshrl.u32 s5, $0x3;
	s5 =	sadd.s32 $0xAE00, s6;
	s10 =	smax.u32 s1, $0x1  }
0x10: {  	s11 =	sshrl.u32 s11, $0x3;
	s9 =	sadd.s32 s9, s6;
	s6 =	sor.u32 $0x1C05, s31  }
0x11: {  	s7 =	sadd.s32 $0x15600, s8;
	s8 =	sadd.s32 $0xE00, s8;
	s9 =	sadd.s32 $0x1F600, s9  }
.LBB2_1:
0x12: {  	[spmem:s11], [sflag:s6] =	dma.local [hbm:s5], $0x500  }
0x13: {  	_ =	swait.ge [sflag:s12], $0x500  }
0x14: {  	[sflag:s12] =	ssyncset.done $0x0  }
0x15: {  	[sflag:s12] =	ssyncadd.s32 $0xFFFFFB00  }
0x16: {  	[tilespmem:s3], [sflag:$0x5] =	stream.linear.gather [hbm4b:s7+s3], $0x2800, $0x38;
	[tilespmem:$0x9800] =	vst v63  }
0x17: {  	_ =	swait.ge [sflag:s12], $0x2800  }
0x18: {  	[sflag:s12] =	ssyncset.done $0x0  }
0x19: {  	[sflag:s12] =	ssyncadd.s32 $0xFFFFD800  }
0x1a: {  	[tilespmem:s13], [sflag:$0x5] =	stream.linear.gather [hbm4b:s8+s3], $0x2800, $0x38;
	[tilespmem:$0x9800] =	vst v63  }
0x1b: {  	_ =	swait.ge [sflag:s12], $0x2800  }
0x1c: {  	[sflag:s12] =	ssyncset.done $0x0  }
0x1d: {  	[sflag:s12] =	ssyncadd.s32 $0xFFFFD800  }
0x1e: {  	[bflag:$0x0] =	sbarrier.arrive $0xFFFF  }
0x1f: {  	[tilespmem:s15], [sflag:$0x1] =	stream.indirect.gather [hbm4b:s4+s14], $0x10, s3, s14, $0xb8;
	[tilespmem:$0x9800] =	vst v63  }
0x20: {  	_ = 	snop  }
0x21: {  	[tilespmem:s16], [sflag:$0x2] =	stream.indirect.gather [hbm4b:s4+s14], $0x10, s14, s14, $0xb8;
	[tilespmem:$0x9800] =	vst v63  }
0x22: {  	_ = 	snop  }
0x23: {  	[tilespmem:s18], [sflag:$0x3] =	stream.indirect.gather [hbm4b:s4+s14], $0x10, s17, s14, $0xb8;
	[tilespmem:$0x9800] =	vst v63  }
0x24: {  	_ = 	snop  }
0x25: {  	[tilespmem:s20], [sflag:$0x4] =	stream.indirect.gather [hbm4b:s4+s14], $0x10, s19, s14, $0xb8;
	[tilespmem:$0x9800] =	vst v63  }
0x26: {  	_ =	swait.ge [sflag:s21], $0x800  }
0x27: {  	[sflag:s21] =	ssyncset.done $0x0  }
0x28: {  	s1 =	simm.s32 $0x2800;
	[sflag:s21] =	ssyncadd.s32 $0xFFFFF800  }
0x29: {  	[spmem:s2] =	stream.indirect.scatter.add.f32 [tilespmem:s15], [sflag:$0x5], $0x10, s1, s14, $0xb8;
	[tilespmem:$0x9800] =	vst v63  }
0x2a: {  	_ =	swait.ge [sflag:s12], $0x800  }
0x2b: {  	[sflag:s12] =	ssyncset.done $0x0  }
0x2c: {  	s0 =	simm.s32 $0x200;
	[sflag:s12] =	ssyncadd.s32 $0xFFFFF800  }
0x2d: {  	[tilespmem:s15], [sflag:$0x1] =	stream.indirect.gather [hbm4b:s4+s14], $0x10, s0, s14, $0xb8;
	[tilespmem:$0x9800] =	vst v63  }
0x2e: {  	_ =	swait.ge [sflag:s22], $0x800  }
0x2f: {  	[sflag:s22] =	ssyncset.done $0x0  }
0x30: {  	s0 =	simm.s32 $0x2880;
	[sflag:s22] =	ssyncadd.s32 $0xFFFFF800  }
0x31: {  	[spmem:s2] =	stream.indirect.scatter.add.f32 [tilespmem:s16], [sflag:$0x5], $0x10, s0, s14, $0xb8;
	[tilespmem:$0x9800] =	vst v63  }
0x32: {  	_ =	swait.ge [sflag:s12], $0x800  }
0x33: {  	[sflag:s12] =	ssyncset.done $0x0  }
0x34: {  	s0 =	simm.s32 $0x280;
	[sflag:s12] =	ssyncadd.s32 $0xFFFFF800  }
0x35: {  	[tilespmem:s16], [sflag:$0x2] =	stream.indirect.gather [hbm4b:s4+s14], $0x10, s0, s14, $0xb8;
	[tilespmem:$0x9800] =	vst v63  }
0x36: {  	_ =	swait.ge [sflag:s23], $0x800  }
0x37: {  	[sflag:s23] =	ssyncset.done $0x0  }
0x38: {  	s0 =	simm.s32 $0x2900;
	[sflag:s23] =	ssyncadd.s32 $0xFFFFF800  }
0x39: {  	[spmem:s2] =	stream.indirect.scatter.add.f32 [tilespmem:s18], [sflag:$0x5], $0x10, s0, s14, $0xb8;
	[tilespmem:$0x9800] =	vst v63  }
0x3a: {  	_ =	swait.ge [sflag:s12], $0x800  }
0x3b: {  	[sflag:s12] =	ssyncset.done $0x0  }
0x3c: {  	s0 =	simm.s32 $0x300;
	[sflag:s12] =	ssyncadd.s32 $0xFFFFF800  }
0x3d: {  	[tilespmem:s18], [sflag:$0x3] =	stream.indirect.gather [hbm4b:s4+s14], $0x10, s0, s14, $0xb8;
	[tilespmem:$0x9800] =	vst v63  }
0x3e: {  	_ =	swait.ge [sflag:s24], $0x800  }
0x3f: {  	[sflag:s24] =	ssyncset.done $0x0  }
0x40: {  	s0 =	simm.s32 $0x2980;
	[sflag:s24] =	ssyncadd.s32 $0xFFFFF800  }
0x41: {  	[spmem:s2] =	stream.indirect.scatter.add.f32 [tilespmem:s20], [sflag:$0x5], $0x10, s0, s14, $0xb8;
	[tilespmem:$0x9800] =	vst v63  }
0x42: {  	_ =	swait.ge [sflag:s12], $0x800  }
0x43: {  	[sflag:s12] =	ssyncset.done $0x0  }
0x44: {  	s31 =	simm.s32 $0x800;
	s1 =	simm.s32 $0x380;
	[sflag:s12] =	ssyncadd.s32 $0xFFFFF800  }
.LBB2_2:
0x45: {  	[tilespmem:s20], [sflag:$0x4] =	stream.indirect.gather [hbm4b:s4+s14], $0x10, s1, s14, $0xb8;
	[tilespmem:$0x9800] =	vst v63  }
0x46: {  	s1 =	smov.u32 s31  }
0x47: {  	p0 =	sne.s32 s31, $0x9000;
	s31 =	sadd.s32 $0x800, s31;
	_ =	swait.ge [sflag:s21], $0x800  }
0x48: {  	s1 =	sshra.s32 s1, $0x2;
	[sflag:s21] =	ssyncset.done $0x0  }
0x49: {  	s0 =	sadd.s32 $0x2800, s1;
	[sflag:s21] =	ssyncadd.s32 $0xFFFFF800  }
0x4a: {  	[spmem:s2] =	stream.indirect.scatter.add.f32 [tilespmem:s15], [sflag:$0x5], $0x10, s0, s14, $0xb8;
	[tilespmem:$0x9800] =	vst v63  }
0x4b: {  	_ =	swait.ge [sflag:s12], $0x800  }
0x4c: {  	[sflag:s12] =	ssyncset.done $0x0  }
0x4d: {  	s0 =	sadd.s32 $0x200, s1;
	[sflag:s12] =	ssyncadd.s32 $0xFFFFF800  }
0x4e: {  	[tilespmem:s15], [sflag:$0x1] =	stream.indirect.gather [hbm4b:s4+s14], $0x10, s0, s14, $0xb8;
	[tilespmem:$0x9800] =	vst v63  }
0x4f: {  	_ =	swait.ge [sflag:s22], $0x800  }
0x50: {  	[sflag:s22] =	ssyncset.done $0x0  }
0x51: {  	s0 =	sadd.s32 $0x2880, s1;
	[sflag:s22] =	ssyncadd.s32 $0xFFFFF800  }
0x52: {  	[spmem:s2] =	stream.indirect.scatter.add.f32 [tilespmem:s16], [sflag:$0x5], $0x10, s0, s14, $0xb8;
	[tilespmem:$0x9800] =	vst v63  }
0x53: {  	_ =	swait.ge [sflag:s12], $0x800  }
0x54: {  	[sflag:s12] =	ssyncset.done $0x0  }
0x55: {  	s0 =	sadd.s32 $0x280, s1;
	[sflag:s12] =	ssyncadd.s32 $0xFFFFF800  }
0x56: {  	[tilespmem:s16], [sflag:$0x2] =	stream.indirect.gather [hbm4b:s4+s14], $0x10, s0, s14, $0xb8;
	[tilespmem:$0x9800] =	vst v63  }
0x57: {  	_ =	swait.ge [sflag:s23], $0x800  }
0x58: {  	[sflag:s23] =	ssyncset.done $0x0  }
0x59: {  	s0 =	sadd.s32 $0x2900, s1;
	[sflag:s23] =	ssyncadd.s32 $0xFFFFF800  }
0x5a: {  	[spmem:s2] =	stream.indirect.scatter.add.f32 [tilespmem:s18], [sflag:$0x5], $0x10, s0, s14, $0xb8;
	[tilespmem:$0x9800] =	vst v63  }
0x5b: {  	_ =	swait.ge [sflag:s12], $0x800  }
0x5c: {  	[sflag:s12] =	ssyncset.done $0x0  }
0x5d: {  	s0 =	sadd.s32 $0x300, s1;
	[sflag:s12] =	ssyncadd.s32 $0xFFFFF800  }
0x5e: {  	[tilespmem:s18], [sflag:$0x3] =	stream.indirect.gather [hbm4b:s4+s14], $0x10, s0, s14, $0xb8;
	[tilespmem:$0x9800] =	vst v63  }
0x5f: {  	_ =	swait.ge [sflag:s24], $0x800  }
0x60: {  	[sflag:s24] =	ssyncset.done $0x0  }
.Ltmp0:
0x61: {  	s0 =	sadd.s32 $0x2980, s1;
	[sflag:s24] =	ssyncadd.s32 $0xFFFFF800;
	(pc) =	sbr.rel @p0 .LBB2_2-.Ltmp0, $4  }
0x62: {  	[spmem:s2] =	stream.indirect.scatter.add.f32 [tilespmem:s20], [sflag:$0x5], $0x10, s0, s14, $0xb8;
	[tilespmem:$0x9800] =	vst v63  }
0x63: {  	_ =	swait.ge [sflag:s12], $0x800  }
0x64: {  	[sflag:s12] =	ssyncset.done $0x0  }
0x65: {  	s1 =	sadd.s32 $0x380, s1;
	[sflag:s12] =	ssyncadd.s32 $0xFFFFF800  }
0x66: {  	[tilespmem:s20], [sflag:$0x4] =	stream.indirect.gather [hbm4b:s4+s14], $0x10, s1, s14, $0xb8;
	[tilespmem:$0x9800] =	vst v63  }
0x67: {  	_ =	swait.ge [sflag:s21], $0x800  }
0x68: {  	[sflag:s21] =	ssyncset.done $0x0  }
0x69: {  	[sflag:s21] =	ssyncadd.s32 $0xFFFFF800  }
0x6a: {  	[spmem:s2] =	stream.indirect.scatter.add.f32 [tilespmem:s15], [sflag:$0x5], $0x10, s25, s14, $0xb8;
	[tilespmem:$0x9800] =	vst v63  }
0x6b: {  	_ =	swait.ge [sflag:s12], $0x800  }
0x6c: {  	[sflag:s12] =	ssyncset.done $0x0  }
0x6d: {  	[sflag:s12] =	ssyncadd.s32 $0xFFFFF800  }
0x6e: {  	_ =	swait.ge [sflag:s22], $0x800  }
0x6f: {  	[sflag:s22] =	ssyncset.done $0x0  }
0x70: {  	[sflag:s22] =	ssyncadd.s32 $0xFFFFF800  }
0x71: {  	[spmem:s2] =	stream.indirect.scatter.add.f32 [tilespmem:s16], [sflag:$0x5], $0x10, s26, s14, $0xb8;
	[tilespmem:$0x9800] =	vst v63  }
0x72: {  	_ =	swait.ge [sflag:s12], $0x800  }
0x73: {  	[sflag:s12] =	ssyncset.done $0x0  }
0x74: {  	[sflag:s12] =	ssyncadd.s32 $0xFFFFF800  }
0x75: {  	_ =	swait.ge [sflag:s23], $0x800  }
0x76: {  	[sflag:s23] =	ssyncset.done $0x0  }
0x77: {  	[sflag:s23] =	ssyncadd.s32 $0xFFFFF800  }
0x78: {  	[spmem:s2] =	stream.indirect.scatter.add.f32 [tilespmem:s18], [sflag:$0x5], $0x10, s28, s14, $0xb8;
	[tilespmem:$0x9800] =	vst v63  }
0x79: {  	_ =	swait.ge [sflag:s12], $0x800  }
0x7a: {  	[sflag:s12] =	ssyncset.done $0x0  }
0x7b: {  	[sflag:s12] =	ssyncadd.s32 $0xFFFFF800  }
0x7c: {  	_ =	swait.ge [sflag:s24], $0x800  }
0x7d: {  	[sflag:s24] =	ssyncset.done $0x0  }
0x7e: {  	[sflag:s24] =	ssyncadd.s32 $0xFFFFF800  }
0x7f: {  	[spmem:s2] =	stream.indirect.scatter.add.f32 [tilespmem:s20], [sflag:$0x5], $0x10, s29, s14, $0xb8;
	[tilespmem:$0x9800] =	vst v63  }
0x80: {  	_ =	swait.ge [sflag:s12], $0x800  }
0x81: {  	s30 =	sadd.s32 $0x1, s30;
	[sflag:s12] =	ssyncset.done $0x0  }
0x82: {  	p0 =	sne.s32 s30, s10;
	[sflag:s12] =	ssyncadd.s32 $0xFFFFF800  }
.Ltmp1:
0x83: {  	[bflag:$0x0] =	sbarrier.arrive $0xFFFF;
	(pc) =	sbr.rel @p0 .LBB2_1-.Ltmp1, $4  }
0x84: {  	[hbm:s9], [sflag:s6] =	dma.local [spmem:s11], $0x500  }
0x85: {  	_ =	swait.ge [sflag:s12], $0x500  }
0x86: {  	[sflag:s12] =	ssyncset.done $0x0  }
0x87: {  	[sflag:s12] =	ssyncadd.s32 $0xFFFFFB00  }
0x88: {  	_ =	sfence.sel $0x180000  }
0x89: {  	[bflag:$0x0] =	sbarrier.arrive $0xFFFF  }
0x8a: {  	_ =	strace $0x9000004D  }
0x8b: {  	s0 =	stileid.u32;
	[bflag:$0x2] =	sbarrier.arrive $0xFFFF  }
0x8c: {  	p0 =	sne.s32 s0, $0x0;
	s0 =	rddreg [dreg:$0x2]  }
0x8d: {  	s0 =	sadd.s32 @!p0 $0x100000, s0  }
0x8e: {  	[sflag:s0] =	ssyncadd.tile.s32 @!p0 $0x1;
	_ =	shalt  }
.Lfunc_end2:
_tile_overlayer_lowered:
.L_overlay_start_2:
0x8f: {  	(tag) =	ssettag $0x2  }
0x90: {  	s0 =	rddreg [dreg:$0x0];
	s2 =	stileid.u32  }
0x91: {  	s1 =	rddreg [dreg:$0x1];
	p0 =	sne.s32 s2, $0x0  }
0x92: {  	s3 =	rddreg [dreg:$0x2];
	[bflag:$0x3] =	sbarrier.arrive $0xFFFF;
	s2 =	simm.s32 @!p0 $0x1C05  }
0x93: {  	[timem:s3], [sflag:s2] =	dma.local @!p0 [hbm:s0], s1  }
0x94: {  	s0 =	simm.s32 @!p0 $0x5  }
0x95: {  	_ =	swait.ge @!p0 [sflag:s0], s1  }
0x96: {  	s1 =	ssub.s32 @!p0 $0x0, s1;
	[sflag:s0] =	ssyncset.done @!p0 $0x0  }
0x97: {  	[sflag:s0] =	ssyncadd.s32 @!p0 s1  }
0x98: {  	[bflag:$0x3] =	sbarrier.arrive $0xFFFF  }
0x99: {  	_ =	shalt  }

// kernel: kernel.9.cloned.1.call-start
scs
__scs_entry_jumppad:
0x0: {  	(pc) =	sbr.rel $0x88, $3  }
0x1: {  	(tag) =	ssettag $0x0;
	lr =	simm.s32 $0x1  }
0x2: {  	[smem:$0x3F98] =	sst lr;
	_ =	strace $0xD0000000  }
0x3: {  	_ = 	snop  }
0x4: {  	_ = 	snop  }
0x5: {  	_ = 	snop  }
0x6: {  	_ = 	snop  }
0x7: {  	_ = 	snop  }
__scs_overlays_trampoline_lowered:
0x8: {  	[smem:$0x3FA7] =	sst s0  }
0x9: {  	[smem:$0x3FA8] =	sst s1  }
0xa: {  	[smem:$0x3FA9] =	sst s2  }
0xb: {  	[smem:$0x3FAA] =	sst s3  }
0xc: {  	[smem:$0x3FAB] =	sst s4  }
0xd: {  	[smem:$0x3FAC] =	sst s5  }
0xe: {  	[smem:$0x3FAD] =	sst s6  }
0xf: {  	[smem:$0x3FAE] =	sst s7  }
0x10: {  	[smem:$0x3FAF] =	sst s8  }
0x11: {  	[smem:$0x3FB0] =	sst s9;
	s0 =	simm.s32 @!p0 $0x0  }
0x12: {  	s1 =	sld [smem:$0x3F96];
	s0 =	simm.s32 @p0 $0x1  }
0x13: {  	[smem:$0x3FB1] =	sst s0;
	s0 =	simm.s32 @!p1 $0x0  }
0x14: {  	s2 =	sld [smem:$0x3F95];
	s0 =	simm.s32 @p1 $0x1  }
0x15: {  	[smem:$0x3FB2] =	sst s0;
	s0 =	simm.s32 @!p2 $0x0  }
0x16: {  	s3 =	sld [smem:$0x3FDB];
	s0 =	simm.s32 @p2 $0x1  }
0x17: {  	s4 =	simm.s32 $0x1BF5;
	[smem:$0x3FB4] =	sst s0  }
0x18: {  	s0 =	sld [smem:$0x3F97];
	_ =	swait.ge [sflag:s4], $0x0  }
0x19: {  	s7 =	sld [smem:$0x3F98]  }
0x1a: {  	s8 =	sadd.s32 $0xFFFFE003, lr  }
0x1b: {  	s9 =	sadd.s32 $0xFFFFFEF7, lr;
	s5 =	simm.s32 $0xFFFFFFFF;
	p2 =	slt.u32 s8, $0xFFFFF086  }
0x1c: {  	p1 =	slt.u32 s9, $0xF7A;
	s5 =	simm.s32 @!p2 $0x0  }
0x1d: {  	s5 =	simm.s32 @p1 $0x1;
	p0 =	seq.s32 s7, s2  }
0x1e: {  	s7 =	smul.u32 @!p0 $0xF7A, s2;
	p2 =	seq.s32 @!p0 s5, $0x0  }
0x1f: {  	s9 =	smul.u32 $0xF7A, s1;
	s8 =	simm.s32 @!p0 $0x1BF5;
	p2 =	por !p2, p0  }
0x20: {  	[sflag:s8] =	ssyncset.s32 @!p0 $0xFFFFF086;
	s6 =	sadd.s32 @!p0 s3, s7;
	s7 =	simm.s32 @!p0 $0x108  }
0x21: {  	s3 =	sadd.s32 s3, s9;
	s6 =	sadd.s32 @!p0 $0x88, s6;
	s7 =	simm.s32 @p2 $0x1082  }
0x22: {  	[simem:s7], [sflag:s8] =	dma.local @!p0 [hbm:s6], $0xF7A  }
0x23: {  	s9 =	sor.u32 $0xD0000000, s2;
	s6 =	simm.s32 $0x108;
	_ =	swait.ge @!p0 [sflag:s8], $0x0  }
0x24: {  	s3 =	sadd.s32 $0x88, s3;
	s6 =	simm.s32 @!p1 $0x1082;
	[sflag:s4] =	ssyncset.s32 $0xFFFFF086  }
0x25: {  	[simem:s6], [sflag:s4] =	dma.local [hbm:s3], $0xF7A  }
0x26: {  	[smem:$0x3F98] =	sst s1;
	(tag) =	ssettag s2;
	_ =	strace s9  }
0x27: {  	s1 =	sld [smem:$0x3FA8]  }
0x28: {  	s2 =	sld [smem:$0x3FA9]  }
0x29: {  	s4 =	sld [smem:$0x3FAB]  }
0x2a: {  	p0 =	seq.s32 s5, $0x0;
	s5 =	sld [smem:$0x3FAC]  }
0x2b: {  	s6 =	sld [smem:$0x3FAD]  }
0x2c: {  	s7 =	sld [smem:$0x3FAE]  }
0x2d: {  	s3 =	simm.s32 $0x108;
	s8 =	sld [smem:$0x3FAF]  }
0x2e: {  	s3 =	simm.s32 @!p0 $0x1082;
	s9 =	sld [smem:$0x3FB0]  }
0x2f: {  	lr =	sadd.s32 s0, s3;
	s0 =	sld [smem:$0x3FA7]  }
0x30: {  	s3 =	sld [smem:$0x3FAA]  }
0x31: {  	[smem:$0x3FB3] =	sst s10  }
0x32: {  	s10 =	sld [smem:$0x3FB1];
	_ =	sdelay $0x3  }
0x33: {  	p0 =	seq.s32 s10, $0x1;
	s10 =	sld [smem:$0x3FB3];
	_ =	sdelay $0x3  }
0x34: {  	[smem:$0x3FB3] =	sst s10  }
0x35: {  	s10 =	sld [smem:$0x3FB2];
	_ =	sdelay $0x3  }
0x36: {  	p1 =	seq.s32 s10, $0x1;
	s10 =	sld [smem:$0x3FB3];
	_ =	sdelay $0x3  }
0x37: {  	[smem:$0x3FB3] =	sst s10  }
0x38: {  	s10 =	sld [smem:$0x3FB4]  }
0x39: {  	_ = 	snop;
	(pc) =	sbr.ind lr, $3  }
0x3a: {  	_ = 	snop  }
0x3b: {  	_ = 	snop  }
0x3c: {  	p2 =	seq.s32 s10, $0x1;
	s10 =	sld [smem:$0x3FB3]  }
0x3d: {  	_ =	shalt  }
0x3e: {  	_ =	shalt  }
0x3f: {  	_ =	shalt  }
0x40: {  	_ =	shalt  }
0x41: {  	_ =	shalt  }
0x42: {  	_ =	shalt  }
0x43: {  	_ =	shalt  }
0x44: {  	_ =	shalt  }
0x45: {  	_ =	shalt  }
0x46: {  	_ =	shalt  }
0x47: {  	_ =	shalt  }
0x48: {  	_ =	shalt  }
0x49: {  	_ =	shalt  }
0x4a: {  	_ =	shalt  }
0x4b: {  	_ =	shalt  }
0x4c: {  	_ =	shalt  }
0x4d: {  	_ =	shalt  }
0x4e: {  	_ =	shalt  }
0x4f: {  	_ =	shalt  }
0x50: {  	_ =	shalt  }
0x51: {  	_ =	shalt  }
0x52: {  	_ =	shalt  }
0x53: {  	_ =	shalt  }
0x54: {  	_ =	shalt  }
0x55: {  	_ =	shalt  }
0x56: {  	_ =	shalt  }
0x57: {  	_ =	shalt  }
0x58: {  	_ =	shalt  }
0x59: {  	_ =	shalt  }
0x5a: {  	_ =	shalt  }
0x5b: {  	_ =	shalt  }
0x5c: {  	_ =	shalt  }
0x5d: {  	_ =	shalt  }
0x5e: {  	_ =	shalt  }
0x5f: {  	_ =	shalt  }
0x60: {  	_ =	shalt  }
0x61: {  	_ =	shalt  }
0x62: {  	_ =	shalt  }
0x63: {  	_ =	shalt  }
0x64: {  	_ =	shalt  }
0x65: {  	_ =	shalt  }
0x66: {  	_ =	shalt  }
0x67: {  	_ =	shalt  }
0x68: {  	_ =	shalt  }
0x69: {  	_ =	shalt  }
0x6a: {  	_ =	shalt  }
0x6b: {  	_ =	shalt  }
0x6c: {  	_ =	shalt  }
0x6d: {  	_ =	shalt  }
0x6e: {  	_ =	shalt  }
0x6f: {  	_ =	shalt  }
0x70: {  	_ =	shalt  }
0x71: {  	_ =	shalt  }
0x72: {  	_ =	shalt  }
0x73: {  	_ =	shalt  }
0x74: {  	_ =	shalt  }
0x75: {  	_ =	shalt  }
0x76: {  	_ =	shalt  }
0x77: {  	_ =	shalt  }
0x78: {  	_ =	shalt  }
0x79: {  	_ =	shalt  }
0x7a: {  	_ =	shalt  }
0x7b: {  	_ =	shalt  }
0x7c: {  	_ =	shalt  }
0x7d: {  	_ =	shalt  }
0x7e: {  	_ =	shalt  }
0x7f: {  	_ =	shalt  }
0x80: {  	_ =	shalt  }
0x81: {  	_ =	shalt  }
0x82: {  	_ =	shalt  }
0x83: {  	_ =	shalt  }
0x84: {  	_ =	shalt  }
0x85: {  	_ =	shalt  }
0x86: {  	_ =	shalt  }
0x87: {  	_ =	shalt  }
.Lfunc_end0:
.L_simem_size_0:
called_computation_lowered:
.L_overlay_start_0:
0x88: {  	s2 =	sld [smem:$0x3FD9]  }
0x89: {  	s3 =	sld [smem:$0x3FFE];
	_ =	sdelay $0x1  }
0x8a: {  	s1 =	srdreg.scid  }
0x8b: {  	s0 =	sand.u32 $0x1, s1  }
0x8c: {  	s16 =	sshll.u32 s0, $0xA;
	s2 =	sadd.s32 s3, s2  }
0x8d: {  	s2 =	sadd.s32 s2, s16  }
0x8e: {  	[smem:$0x3FBF] =	sst s2  }
0x8f: {  	_ = 	snop  }
0x90: {  	(tm) =	ssettm $0x1  }
0x91: {  	s17 =	sld [smem:$0x3FFB];
	_ =	sdelay $0x3  }
0x92: {  	_ =	strace s17  }
0x93: {  	s2 =	sld [smem:$0x3FFC];
	_ =	sdelay $0x3  }
0x94: {  	_ =	strace s2  }
0x95: {  	s2 =	sld [smem:$0x3FFD];
	_ =	sdelay $0x3  }
0x96: {  	_ =	strace s2  }
0x97: {  	_ =	strace $0x8FFFFFFF  }
0x98: {  	s18 =	sld [smem:$0x3FDB];
	_ =	sdelay $0x1  }
0x99: {  	s19 =	simm.s32 $_scs_section_size  }
0x9a: {  	s4 =	simm.s32 $_size__tile_overlayer_lowered;
	s5 =	simm.s32 $_tile_overlayer_lowered  }
0x9b: {  	s22 =	simm.s32 $0x1BFF;
	s21 =	sshll.u32 s5, $0x1;
	s2 =	sadd.s32 s19, s18  }
0x9c: {  	s6 =	simm.s32 $0x0;
	s20 =	sshll.u32 s4, $0x1;
	s4 =	sadd.s32 s21, s2  }
0x9d: {  	[timem:s6], [sflag:s22] =	dma.local [hbm:s4], s20  }
0x9e: {  	_ =	swait.ge [sflag:s22], s20  }
0x9f: {  	s3 =	ssub.s32 $0x0, s20;
	[sflag:s22] =	ssyncset.done $0x0  }
0xa0: {  	[sflag:s22] =	ssyncadd.s32 s3;
	_ =	sdelay $0x1  }
0xa1: {  	s23 =	simm.s32 $0x1B8B  }
0xa2: {  	_ =	swait.ge [sflag:s23], $0x1  }
0xa3: {  	[sflag:s23] =	ssyncset.done $0x0  }
0xa4: {  	s25 =	simm.s32 $0x1B8E;
	s24 =	sld [smem:$0x3FFE];
	[sflag:s23] =	ssyncadd.s32 $0xFFFFFFFF  }
0xa5: {  	s26 =	simm.s32 $execute0_lowered;
	[smem:$0x3FD2] =	sst s25  }
0xa6: {  	s4 =	sshll.u32 s26, $0x1;
	_ =	strace $0x80000046;
	[dreg:$0x1] =	wrdreg $0xFFFFFFFF  }
0xa7: {  	s28 =	simm.s32 $_size_execute0_lowered;
	s2 =	sadd.s32 s2, s4;
	[dreg:$0x0] =	wrdreg $0x0  }
0xa8: {  	s4 =	sshll.u32 s28, $0x1;
	[dreg:$0x2] =	wrdreg s2  }
0xa9: {  	[dreg:$0x3] =	wrdreg s4  }
0xaa: {  	[dreg:$0x4] =	wrdreg $0xC0  }
0xab: {  	_ =	task [dreg:s6], $0x5FFFF  }
0xac: {  	[dreg:$0x1] =	wrdreg $0xFFFFFFFF  }
0xad: {  	[dreg:$0x0] =	wrdreg $0x60  }
0xae: {  	[dreg:$0x2] =	wrdreg s24  }
0xaf: {  	[dreg:$0x3] =	wrdreg $0x30000  }
0xb0: {  	[dreg:$0x4] =	wrdreg $0x9  }
0xb1: {  	_ =	task.clear_ibuf [dreg:s6], $0x5FFFF;
	_ =	strace $0x90000046  }
0xb2: {  	s29 =	simm.s32 $0x9;
	_ =	strace $0x80000048  }
0xb3: {  	_ =	swait.ge [sflag:s29], $0x1  }
0xb4: {  	[sflag:s29] =	ssyncadd.s32 $0xFFFFFFFF  }
0xb5: {  	_ =	strace $0x90000048  }
0xb6: {  	_ =	sfence  }
0xb7: {  	s30 =	sld [smem:$0x0];
	_ =	sdelay $0x2  }
0xb8: {  	s31 =	sshll.u32 s1, $0xD;
	s1 =	sshrl.u32 s1, $0x2  }
0xb9: {  	s3 =	sand.u32 $0x4000, s31;
	s1 =	sadd.s32 s1, s30  }
0xba: {  	s0 =	sor.u32 s3, s0;
	s1 =	sshll.u32 s1, $0x11  }
0xbb: {  	s0 =	sor.u32 s1, s0  }
0xbc: {  	s0 =	sadd.s32 $0x8F2B, s0  }
0xbd: {  	[sflag:s0] =	ssyncadd.remote.s32 $0x1  }
0xbe: {  	_ =	sfence.sel $0xFFFF  }
0xbf: {  	[dreg:$0x0] =	wrdreg $0xFFFFFFFF;
	(pc) =	sbr.abs _section_cstart, $3  }
0xc0: {  	[dreg:$0x1] =	wrdreg $0xFFFFFFFF  }
0xc1: {  	_ =	task.clear_ibuf [dreg:s6], $0x2FFFF;
	_ =	strace $0x9FFFFFFF  }
0xc2: {  	(tm) =	ssettm $0x7FFFFFFF  }
0xc3: {  	_ =	shalt  }
tec
execute0_lowered:
.L_overlay_start_1:
0x0: {  	(tag) =	ssettag $0x1  }
0x1: {  	s1 =	srdreg.scid;
	s6 =	rddreg [dreg:$0x0]  }
0x2: {  	s0 =	stileid.u32;
	s2 =	rddreg [dreg:$0x1]  }
0x3: {  	s3 =	simm.s32 $0x0;
	s12 =	simm.s32 $0x2800;
	s13 =	simm.s32 $0x80  }
0x4: {  	s14 =	simm.s32 $0x0;
	s5 =	sand.u32 $0x1, s1;
	s29 =	sshll.u32 s0, $0x1  }
0x5: {  	s7 =	smul.u32 $0x2800, s0;
	[smem:$0x7FF] =	sst s3;
	s31 =	sshll.u32 s0, $0x6  }
0x6: {  	s1 =	sor.u32 s5, s29;
	s8 =	smul.u32 $0x28000, s5;
	s10 =	ssub.s32 $0x2, s5  }
0x7: {  	s5 =	sadd.s32 $0xAE00, s6;
	s4 =	smul.u32 $0x500, s1;
	s1 =	rddreg [dreg:$0x2]  }
0x8: {  	_ =	strace $0x80000047;
	s30 =	sshrl.u32 s10, $0x1;
	s8 =	sadd.s32 s7, s8  }
0x9: {  	s11 =	sadd.s32 s7, s2;
	s10 =	ssub.s32 s10, s30;
	s8 =	sshrl.u32 s8, $0x3  }
0xa: {  	s9 =	sadd.s32 s4, s6;
	s4 =	sadd.s32 $0xB400, s6;
	s8 =	sadd.s32 s8, s6  }
0xb: {  	s6 =	sor.u32 $0x1C01, s31;
	s7 =	sadd.s32 $0xE00, s9;
	s9 =	smax.u32 s10, $0x1  }
0xc: {  	s10 =	sshrl.u32 s11, $0x3;
	s11 =	simm.s32 $0x1;
	s8 =	sadd.s32 $0xB600, s8  }
.LBB2_1:
0xd: {  	[spmem:s10], [sflag:s6] =	dma.local [hbm:s5], $0x500  }
0xe: {  	_ =	swait.ge [sflag:s11], $0x500  }
0xf: {  	[sflag:s11] =	ssyncset.done $0x0  }
0x10: {  	[sflag:s11] =	ssyncadd.s32 $0xFFFFFB00  }
0x11: {  	[tilespmem:s12], [sflag:$0x1] =	stream.linear.gather [hbm4b:s4+s3], $0x800, $0x38;
	[tilespmem:$0x5800] =	vst v63  }
0x12: {  	_ =	swait.ge [sflag:s11], $0x800  }
0x13: {  	[sflag:s11] =	ssyncset.done $0x0  }
0x14: {  	[sflag:s11] =	ssyncadd.s32 $0xFFFFF800  }
0x15: {  	[tilespmem:s3], [sflag:$0x1] =	stream.linear.gather [hbm4b:s7+s3], $0x2800, $0x38;
	[tilespmem:$0x5800] =	vst v63  }
0x16: {  	_ =	swait.ge [sflag:s11], $0x2800  }
0x17: {  	[sflag:s11] =	ssyncset.done $0x0  }
0x18: {  	[sflag:s11] =	ssyncadd.s32 $0xFFFFD800  }
0x19: {  	s15 =	simm.s32 $0x0;
	[bflag:$0x0] =	sbarrier.arrive $0xFFFF  }
0x1a: {  	[spmem:s2] =	stream.indirect.scatter.add.f32 [tilespmem:s12], [sflag:$0x1], $0x10, s15, s13, $0xb8;
	[tilespmem:$0x5800] =	vst v63  }
0x1b: {  	_ =	swait.ge [sflag:s11], $0x800  }
0x1c: {  	s15 =	simm.s32 $0x200;
	[sflag:s11] =	ssyncset.done $0x0  }
.LBB2_2:
0x1d: {  	s16 =	sshra.s32 s15, $0x2;
	[sflag:s11] =	ssyncadd.s32 $0xFFFFF800;
	p0 =	sne.s32 s15, $0x9E00  }
0x1e: {  	[spmem:s2] =	stream.indirect.scatter.add.f32 [tilespmem:s12], [sflag:$0x1], $0x10, s16, s13, $0xb8;
	[tilespmem:$0x5800] =	vst v63  }
.Ltmp0:
0x1f: {  	_ = 	snop;
	(pc) =	sbr.rel @p0 .LBB2_2-.Ltmp0, $4  }
0x20: {  	_ = 	snop  }
0x21: {  	s15 =	sadd.s32 $0x200, s15  }
0x22: {  	_ =	swait.ge [sflag:s11], $0x800  }
0x23: {  	[sflag:s11] =	ssyncset.done $0x0  }
0x24: {  	s14 =	sadd.s32 $0x1, s14  }
0x25: {  	[sflag:s11] =	ssyncadd.s32 $0xFFFFF800;
	p0 =	sne.s32 s14, s9  }
.Ltmp1:
0x26: {  	[bflag:$0x0] =	sbarrier.arrive $0xFFFF;
	(pc) =	sbr.rel @p0 .LBB2_1-.Ltmp1, $4  }
0x27: {  	[hbm:s8], [sflag:s6] =	dma.local [spmem:s10], $0x500  }
0x28: {  	_ =	swait.ge [sflag:s11], $0x500  }
0x29: {  	[sflag:s11] =	ssyncset.done $0x0  }
0x2a: {  	[sflag:s11] =	ssyncadd.s32 $0xFFFFFB00  }
0x2b: {  	_ =	sfence.sel $0x180000  }
0x2c: {  	[bflag:$0x0] =	sbarrier.arrive $0xFFFF  }
0x2d: {  	p0 =	sne.s32 s0, $0x0;
	_ =	strace $0x90000047  }
0x2e: {  	s0 =	sadd.s32 @!p0 $0x100000, s1;
	[bflag:$0x2] =	sbarrier.arrive $0xFFFF  }
0x2f: {  	[sflag:s0] =	ssyncadd.tile.s32 @!p0 $0x1;
	_ =	shalt  }
.Lfunc_end2:
_tile_overlayer_lowered:
.L_overlay_start_2:
0x30: {  	(tag) =	ssettag $0x2  }
0x31: {  	s0 =	rddreg [dreg:$0x0];
	s2 =	stileid.u32  }
0x32: {  	s1 =	rddreg [dreg:$0x1];
	p0 =	sne.s32 s2, $0x0  }
0x33: {  	s3 =	rddreg [dreg:$0x2];
	[bflag:$0x3] =	sbarrier.arrive $0xFFFF;
	s2 =	simm.s32 @!p0 $0x1C01  }
0x34: {  	[timem:s3], [sflag:s2] =	dma.local @!p0 [hbm:s0], s1  }
0x35: {  	s0 =	simm.s32 @!p0 $0x1  }
0x36: {  	_ =	swait.ge @!p0 [sflag:s0], s1  }
0x37: {  	s1 =	ssub.s32 @!p0 $0x0, s1;
	[sflag:s0] =	ssyncset.done @!p0 $0x0  }
0x38: {  	[sflag:s0] =	ssyncadd.s32 @!p0 s1  }
0x39: {  	[bflag:$0x3] =	sbarrier.arrive $0xFFFF  }
0x3a: {  	_ =	shalt  }

</sc_bundles>
